<compile_context>
chip_gen: v7x
topology: tpu7x:2x2x1
jax: 0.10.2.dev20260603
libtpu: 0.0.44.dev20260713+nightly
codegen_flags: <defaults>
</compile_context>

<pallas_src>
import functools

import jax
import jax.numpy as jnp
from jax import lax
from jax.experimental import pallas as pl
from jax.experimental.pallas import tpu as pltpu
from jax.experimental.pallas import tpu_sc as plsc

B, L, KK = 128, 8192, 32
LANES = 16
NV = L // LANES
NG = 32
VPG = NV // NG
GSZ = VPG * LANES
NC, NS = 2, 16
NW = NC * NS
RPW = B // NW

NEG_INF = float("-inf")
BIG_I = 2**30

_GDN = lax.GatherDimensionNumbers(
    offset_dims=(), collapsed_slice_dims=(0,), start_index_map=(0,))


def _perm(v, idx):
    return lax.gather(v, idx[:, None], dimension_numbers=_GDN,
                      slice_sizes=(1,),
                      mode=lax.GatherScatterMode.PROMISE_IN_BOUNDS)


def _bfly(v, op, iota):
    for s in (1, 2, 4, 8):
        v = op(v, _perm(v, jnp.bitwise_xor(iota, s)))
    return v


@functools.partial(
    pl.kernel,
    mesh=plsc.VectorSubcoreMesh(core_axis_name="c", subcore_axis_name="s"),
    out_type=[
        jax.ShapeDtypeStruct((B, KK), jnp.int32),
        jax.ShapeDtypeStruct((B, KK), jnp.int32),
        jax.ShapeDtypeStruct((B, KK), jnp.float32),
    ],
    scratch_types=[
        pltpu.VMEM((LANES,), jnp.int32),
        pltpu.VMEM((L,), jnp.int32),
        pltpu.VMEM((L,), jnp.int32),
        pltpu.VMEM((L,), jnp.int32),
        pltpu.VMEM((L,), jnp.float32),
        pltpu.VMEM((NG * LANES,), jnp.float32),
        pltpu.VMEM((NG * LANES,), jnp.int32),
        pltpu.VMEM((KK,), jnp.int32),
        pltpu.VMEM((KK,), jnp.int32),
        pltpu.VMEM((KK,), jnp.float32),
    ],
)
def _topk_gate_sc(kvec, tid, am, gm, tw,
                  out_tid, out_am, out_w,
                  kv_v, tid_v, am_v, gm_v, tw_v, gv_v, gi_v,
                  otid_v, oam_v, ow_v):
    cid = lax.axis_index("c")
    sid = lax.axis_index("s")
    wid = sid * NC + cid
    iota = lax.iota(jnp.int32, LANES)
    pltpu.sync_copy(kvec, kv_v)
    kvv = kv_v[...]

    def row_body(r, _):
        b = wid * RPW + r
        pltpu.sync_copy(gm.at[b], gm_v)
        pltpu.sync_copy(tw.at[b], tw_v)
        pltpu.sync_copy(tid.at[b], tid_v)
        pltpu.sync_copy(am.at[b], am_v)

        def cnt_body(i, acc):
            return acc + gm_v[pl.ds(i * LANES, LANES)]

        acc = lax.fori_loop(0, NV, cnt_body, jnp.zeros((LANES,), jnp.int32))
        countv = _bfly(acc.astype(jnp.float32), jnp.add, iota)
        underv = jnp.where(countv < kvv.astype(jnp.float32),
                           jnp.int32(1), jnp.int32(0))

        def grp_body(g, _c):
            def vj(j, c):
                cv, ci = c
                base = (g * VPG + j) * LANES
                v = tw_v[pl.ds(base, LANES)]
                gmv = gm_v[pl.ds(base, LANES)]
                mv = jnp.where((gmv + underv) > 0, v,
                               jnp.float32(NEG_INF))
                tw_v[pl.ds(base, LANES)] = mv
                upd = mv > cv
                return (jnp.where(upd, mv, cv),
                        jnp.where(upd, base + iota, ci))

            cv, ci = lax.fori_loop(
                0, VPG, vj,
                (jnp.full((LANES,), NEG_INF, jnp.float32),
                 jnp.full((LANES,), BIG_I, jnp.int32)))
            gv_v[pl.ds(g * LANES, LANES)] = cv
            gi_v[pl.ds(g * LANES, LANES)] = ci
            return 0

        lax.fori_loop(0, NG, grp_body, 0)

        def ext_body(t, carry):
            vv0, vv1, ti0, ti1, am0, am1 = carry

            def tree(gg, c):
                bv, bi = c
                v = gv_v[pl.ds(gg * LANES, LANES)]
                i2 = gi_v[pl.ds(gg * LANES, LANES)]
                upd = (v > bv) | ((v == bv) & (i2 < bi))
                return (jnp.where(upd, v, bv), jnp.where(upd, i2, bi))

            bv, bi = lax.fori_loop(
                0, NG, tree,
                (jnp.full((LANES,), NEG_INF, jnp.float32),
                 jnp.full((LANES,), BIG_I, jnp.int32)))
            mb = _bfly(bv, jnp.maximum, iota)
            wb = _bfly(jnp.where(bv == mb, bi, jnp.int32(BIG_I)),
                       jnp.minimum, iota)
            w0 = wb[0]
            a = lax.mul(lax.div(w0, jnp.int32(LANES)), jnp.int32(LANES))
            lane = iota == w0 - a
            tb = _bfly(jnp.where(lane, tid_v[pl.ds(a, LANES)], jnp.int32(-1)),
                       jnp.maximum, iota)
            ab = _bfly(jnp.where(lane, am_v[pl.ds(a, LANES)], jnp.int32(-1)),
                       jnp.maximum, iota)
            vv0 = jnp.where(iota == t, mb, vv0)
            vv1 = jnp.where(iota == t - 16, mb, vv1)
            ti0 = jnp.where(iota == t, tb, ti0)
            ti1 = jnp.where(iota == t - 16, tb, ti1)
            am0 = jnp.where(iota == t, ab, am0)
            am1 = jnp.where(iota == t - 16, ab, am1)

            va = tw_v[pl.ds(a, LANES)]
            tw_v[pl.ds(a, LANES)] = jnp.where(lane,
                                              jnp.float32(NEG_INF), va)
            g = lax.div(w0, jnp.int32(GSZ))

            def vj2(j, c):
                cv, ci = c
                base = g * GSZ + j * LANES
                v = tw_v[pl.ds(base, LANES)]
                upd = v > cv
                return (jnp.where(upd, v, cv),
                        jnp.where(upd, base + iota, ci))

            cv, ci = lax.fori_loop(
                0, VPG, vj2,
                (jnp.full((LANES,), NEG_INF, jnp.float32),
                 jnp.full((LANES,), BIG_I, jnp.int32)))
            gv_v[pl.ds(g * LANES, LANES)] = cv
            gi_v[pl.ds(g * LANES, LANES)] = ci
            return (vv0, vv1, ti0, ti1, am0, am1)

        vv0, vv1, ti0, ti1, am0, am1 = lax.fori_loop(
            0, KK, ext_body,
            (jnp.zeros((LANES,), jnp.float32),
             jnp.zeros((LANES,), jnp.float32),
             jnp.zeros((LANES,), jnp.int32),
             jnp.zeros((LANES,), jnp.int32),
             jnp.zeros((LANES,), jnp.int32),
             jnp.zeros((LANES,), jnp.int32)))

        m0 = _bfly(vv0, jnp.maximum, iota)
        e0 = jnp.exp(vv0 - m0)
        e1 = jnp.exp(vv1 - m0)
        inv = 1.0 / _bfly(e0 + e1, jnp.add, iota)
        ow_v[pl.ds(0, LANES)] = e0 * inv
        ow_v[pl.ds(LANES, LANES)] = e1 * inv

        otid_v[pl.ds(0, LANES)] = ti0
        otid_v[pl.ds(LANES, LANES)] = ti1
        oam_v[pl.ds(0, LANES)] = am0
        oam_v[pl.ds(LANES, LANES)] = am1

        pltpu.sync_copy(otid_v, out_tid.at[b])
        pltpu.sync_copy(oam_v, out_am.at[b])
        pltpu.sync_copy(ow_v, out_w.at[b])
        return 0

    lax.fori_loop(0, RPW, row_body, 0)


def kernel(token_id, attn_mask, gate_mask, token_weight, keep_k_modifier, k):
    del keep_k_modifier
    kvec = jnp.full((LANES,), k, dtype=jnp.int32)
    out_tid, out_am, out_w = _topk_gate_sc(
        kvec, token_id, attn_mask, gate_mask, token_weight)
    return (out_tid, out_am, out_w)

# --- scband reference (transcript-rebuilt; emitter-appended) ---
"""Pipeline reference for scband-base-model-17583596110529 (READ-ONLY COPY).

The authoritative reference and input builder live on the scoring server;
editing this copy changes nothing except your own understanding.
"""

import jax, jax.numpy as jnp
import numpy as np

B, L, K = 128, 8192, 32
VOCAB = 30522


def setup_inputs(seed: int = 0) -> dict:
    key = jax.random.key(seed)
    k1, k2, k3, k4 = jax.random.split(key, 4)
    token_id = jax.random.randint(k1, (B, L), 0, VOCAB, dtype=jnp.int32)
    attn_mask = jax.random.randint(k2, (B, L), 0, 2, dtype=jnp.int32)
    gate_mask = jax.random.randint(k3, (B, L), 0, 2, dtype=jnp.int32)
    token_weight = jax.random.normal(k4, (B, L), dtype=jnp.float32)
    # buffer: positions always eligible to be kept when too few gated tokens exist
    keep_k_modifier = jnp.ones((1, L), dtype=jnp.int32)
    return {
        "token_id": token_id,
        "attn_mask": attn_mask,
        "gate_mask": gate_mask,
        "token_weight": token_weight,
        "keep_k_modifier": keep_k_modifier,
        "k": K,
    }


def reference(token_id, attn_mask, gate_mask, token_weight, keep_k_modifier, k):
    # _compute_gate with gate_mask is not None (the top-k gating path)
    under_k = (jnp.sum(gate_mask, axis=-1, keepdims=True) < k).astype(keep_k_modifier.dtype)
    keep_mod = keep_k_modifier * under_k
    pad_pos = (gate_mask + keep_mod) == 0
    tw = jnp.where(pad_pos, -jnp.inf, token_weight)
    gated_token_weight, gated_token_idx = jax.lax.top_k(tw, K)
    gated_token_weight = jax.nn.softmax(gated_token_weight, axis=-1)
    gated_token_id = jnp.take_along_axis(token_id, gated_token_idx, axis=-1)
    gated_attn_mask = jnp.take_along_axis(attn_mask, gated_token_idx, axis=-1)
    return (gated_token_id, gated_attn_mask, gated_token_weight)

if __name__ == "__main__":
    import jax
    _d = setup_inputs()
    print(jax.jit(kernel)(*tuple(_d.values())))

</pallas_src>

<mosaic_0001>
#map = affine_map<(d0, d1) -> (0)>
#map1 = affine_map<(d0, d1) -> (0, 0)>
module attributes {stable_mosaic.version = 14 : i64} {
  func.func @_topk_gate_sc(%arg0: i32, %arg1: i32, %arg2: memref<16xi32, #tpu.memory_space<hbm>>, %arg3: memref<128x8192xi32, #tpu.memory_space<hbm>>, %arg4: memref<128x8192xi32, #tpu.memory_space<hbm>>, %arg5: memref<128x8192xi32, #tpu.memory_space<hbm>>, %arg6: memref<128x8192xf32, #tpu.memory_space<hbm>>, %arg7: memref<128x32xi32, #tpu.memory_space<hbm>>, %arg8: memref<128x32xi32, #tpu.memory_space<hbm>>, %arg9: memref<128x32xf32, #tpu.memory_space<hbm>>, %arg10: memref<16xi32, #tpu.memory_space<vmem>>, %arg11: memref<8192xi32, #tpu.memory_space<vmem>>, %arg12: memref<8192xi32, #tpu.memory_space<vmem>>, %arg13: memref<8192xi32, #tpu.memory_space<vmem>>, %arg14: memref<8192xf32, #tpu.memory_space<vmem>>, %arg15: memref<512xf32, #tpu.memory_space<vmem>>, %arg16: memref<512xi32, #tpu.memory_space<vmem>>, %arg17: memref<32xi32, #tpu.memory_space<vmem>>, %arg18: memref<32xi32, #tpu.memory_space<vmem>>, %arg19: memref<32xf32, #tpu.memory_space<vmem>>) attributes {dimension_semantics = [#tpu.dimension_semantics<core_parallel>, #tpu.dimension_semantics<subcore_parallel>], iteration_bounds = array<i64: 2, 16>, scalar_prefetch = 0 : i64, scratch_operands = 10 : i64, tpu.core_type = #tpu.core_type<sc_vector_subcore>, window_params = [{transform_indices = #map}, {transform_indices = #map1}, {transform_indices = #map1}, {transform_indices = #map1}, {transform_indices = #map1}, {transform_indices = #map1}, {transform_indices = #map1}, {transform_indices = #map1}]} {
    %mul3A = arith.constant 2 : i32
    %mul3A_0 = arith.muli %arg1, %mul3A : i32
    %add3A = arith.addi %mul3A_0, %arg0 : i32
    %iota3A = tpu.iota {dimensions = array<i32: 0>} : vector<16xi32>
    "tpu.region"() ({
      %run_scoped3A = tpu.sem_alloc : memref<!tpu.dma_semaphore, #tpu.memory_space<semaphore_mem>>
      tpu.enqueue_dma source(%arg2 : memref<16xi32, #tpu.memory_space<hbm>>) target(%arg10 : memref<16xi32, #tpu.memory_space<vmem>>) target_semaphore(%run_scoped3A : memref<!tpu.dma_semaphore, #tpu.memory_space<semaphore_mem>>)
      tpu.wait_dma2 semaphore(%run_scoped3A : memref<!tpu.dma_semaphore, #tpu.memory_space<semaphore_mem>>) src(%arg2 : memref<16xi32, #tpu.memory_space<hbm>>) dst(%arg10 : memref<16xi32, #tpu.memory_space<vmem>>)
      tpu.yield
    }) : () -> ()
    %get3A = arith.constant 0 : index
    %get3A_1 = tpu.vector_load %arg10[%get3A] {strides = array<i32>} : memref<16xi32, #tpu.memory_space<vmem>>, vector<16xi32>,
    %get3A_2 = vector.shape_cast %get3A_1 : vector<16xi32> to vector<16xi32>
    %scan3A = arith.constant 0 : i32
    %scan3A_3 = arith.constant 0 : i32
    %scan3A_4 = arith.constant 4 : i32
    %scan3A_5 = arith.addi %scan3A_3, %scan3A_4 : i32
    %scan3A_6 = arith.constant 1 : i32
    %scan3A_7 = scf.for %scan3A_9 = %scan3A_3 to %scan3A_5 step %scan3A_6 iter_args(%scan3A_10 = %scan3A) -> (i32)  : i32 {
      %mul3A_11 = arith.constant 4 : i32
      %mul3A_12 = arith.muli %add3A, %mul3A_11 : i32
      %add3A_13 = arith.addi %mul3A_12, %scan3A_9 : i32
      "tpu.region"() ({
        %run_scoped3A = tpu.sem_alloc : memref<!tpu.dma_semaphore, #tpu.memory_space<semaphore_mem>>
        %dma_start3A = arith.constant 0 : i32
        %dma_start3A_162 = tpu.memref_slice %arg5[%add3A_13, %dma_start3A] : memref<128x8192xi32, #tpu.memory_space<hbm>> -> memref<1x8192xi32, #tpu.memory_space<hbm>>
        %dma_start3A_163 = tpu.memref_squeeze %dma_start3A_162 : memref<1x8192xi32, #tpu.memory_space<hbm>> -> memref<8192xi32, #tpu.memory_space<hbm>>
        %dma_start3A_164 = arith.constant 0 : i32
        %dma_start3A_165 = tpu.memref_slice %arg5[%add3A_13, %dma_start3A_164] : memref<128x8192xi32, #tpu.memory_space<hbm>> -> memref<1x8192xi32, #tpu.memory_space<hbm>>
        %dma_start3A_166 = tpu.memref_squeeze %dma_start3A_165 : memref<1x8192xi32, #tpu.memory_space<hbm>> -> memref<8192xi32, #tpu.memory_space<hbm>>
        tpu.enqueue_dma source(%dma_start3A_166 : memref<8192xi32, #tpu.memory_space<hbm>>) target(%arg13 : memref<8192xi32, #tpu.memory_space<vmem>>) target_semaphore(%run_scoped3A : memref<!tpu.dma_semaphore, #tpu.memory_space<semaphore_mem>>)
        %dma_wait3A = arith.constant 0 : i32
        %dma_wait3A_167 = tpu.memref_slice %arg5[%add3A_13, %dma_wait3A] : memref<128x8192xi32, #tpu.memory_space<hbm>> -> memref<1x8192xi32, #tpu.memory_space<hbm>>
        %dma_wait3A_168 = tpu.memref_squeeze %dma_wait3A_167 : memref<1x8192xi32, #tpu.memory_space<hbm>> -> memref<8192xi32, #tpu.memory_space<hbm>>
        %dma_wait3A_169 = arith.constant 0 : i32
        %dma_wait3A_170 = tpu.memref_slice %arg5[%add3A_13, %dma_wait3A_169] : memref<128x8192xi32, #tpu.memory_space<hbm>> -> memref<1x8192xi32, #tpu.memory_space<hbm>>
        %dma_wait3A_171 = tpu.memref_squeeze %dma_wait3A_170 : memref<1x8192xi32, #tpu.memory_space<hbm>> -> memref<8192xi32, #tpu.memory_space<hbm>>
        tpu.wait_dma2 semaphore(%run_scoped3A : memref<!tpu.dma_semaphore, #tpu.memory_space<semaphore_mem>>) src(%dma_wait3A_171 : memref<8192xi32, #tpu.memory_space<hbm>>) dst(%arg13 : memref<8192xi32, #tpu.memory_space<vmem>>)
        tpu.yield
      }) : () -> ()
      "tpu.region"() ({
        %run_scoped3A = tpu.sem_alloc : memref<!tpu.dma_semaphore, #tpu.memory_space<semaphore_mem>>
        %dma_start3A = arith.constant 0 : i32
        %dma_start3A_162 = tpu.memref_slice %arg6[%add3A_13, %dma_start3A] : memref<128x8192xf32, #tpu.memory_space<hbm>> -> memref<1x8192xf32, #tpu.memory_space<hbm>>
        %dma_start3A_163 = tpu.memref_squeeze %dma_start3A_162 : memref<1x8192xf32, #tpu.memory_space<hbm>> -> memref<8192xf32, #tpu.memory_space<hbm>>
        %dma_start3A_164 = arith.constant 0 : i32
        %dma_start3A_165 = tpu.memref_slice %arg6[%add3A_13, %dma_start3A_164] : memref<128x8192xf32, #tpu.memory_space<hbm>> -> memref<1x8192xf32, #tpu.memory_space<hbm>>
        %dma_start3A_166 = tpu.memref_squeeze %dma_start3A_165 : memref<1x8192xf32, #tpu.memory_space<hbm>> -> memref<8192xf32, #tpu.memory_space<hbm>>
        tpu.enqueue_dma source(%dma_start3A_166 : memref<8192xf32, #tpu.memory_space<hbm>>) target(%arg14 : memref<8192xf32, #tpu.memory_space<vmem>>) target_semaphore(%run_scoped3A : memref<!tpu.dma_semaphore, #tpu.memory_space<semaphore_mem>>)
        %dma_wait3A = arith.constant 0 : i32
        %dma_wait3A_167 = tpu.memref_slice %arg6[%add3A_13, %dma_wait3A] : memref<128x8192xf32, #tpu.memory_space<hbm>> -> memref<1x8192xf32, #tpu.memory_space<hbm>>
        %dma_wait3A_168 = tpu.memref_squeeze %dma_wait3A_167 : memref<1x8192xf32, #tpu.memory_space<hbm>> -> memref<8192xf32, #tpu.memory_space<hbm>>
        %dma_wait3A_169 = arith.constant 0 : i32
        %dma_wait3A_170 = tpu.memref_slice %arg6[%add3A_13, %dma_wait3A_169] : memref<128x8192xf32, #tpu.memory_space<hbm>> -> memref<1x8192xf32, #tpu.memory_space<hbm>>
        %dma_wait3A_171 = tpu.memref_squeeze %dma_wait3A_170 : memref<1x8192xf32, #tpu.memory_space<hbm>> -> memref<8192xf32, #tpu.memory_space<hbm>>
        tpu.wait_dma2 semaphore(%run_scoped3A : memref<!tpu.dma_semaphore, #tpu.memory_space<semaphore_mem>>) src(%dma_wait3A_171 : memref<8192xf32, #tpu.memory_space<hbm>>) dst(%arg14 : memref<8192xf32, #tpu.memory_space<vmem>>)
        tpu.yield
      }) : () -> ()
      "tpu.region"() ({
        %run_scoped3A = tpu.sem_alloc : memref<!tpu.dma_semaphore, #tpu.memory_space<semaphore_mem>>
        %dma_start3A = arith.constant 0 : i32
        %dma_start3A_162 = tpu.memref_slice %arg3[%add3A_13, %dma_start3A] : memref<128x8192xi32, #tpu.memory_space<hbm>> -> memref<1x8192xi32, #tpu.memory_space<hbm>>
        %dma_start3A_163 = tpu.memref_squeeze %dma_start3A_162 : memref<1x8192xi32, #tpu.memory_space<hbm>> -> memref<8192xi32, #tpu.memory_space<hbm>>
        %dma_start3A_164 = arith.constant 0 : i32
        %dma_start3A_165 = tpu.memref_slice %arg3[%add3A_13, %dma_start3A_164] : memref<128x8192xi32, #tpu.memory_space<hbm>> -> memref<1x8192xi32, #tpu.memory_space<hbm>>
        %dma_start3A_166 = tpu.memref_squeeze %dma_start3A_165 : memref<1x8192xi32, #tpu.memory_space<hbm>> -> memref<8192xi32, #tpu.memory_space<hbm>>
        tpu.enqueue_dma source(%dma_start3A_166 : memref<8192xi32, #tpu.memory_space<hbm>>) target(%arg11 : memref<8192xi32, #tpu.memory_space<vmem>>) target_semaphore(%run_scoped3A : memref<!tpu.dma_semaphore, #tpu.memory_space<semaphore_mem>>)
        %dma_wait3A = arith.constant 0 : i32
        %dma_wait3A_167 = tpu.memref_slice %arg3[%add3A_13, %dma_wait3A] : memref<128x8192xi32, #tpu.memory_space<hbm>> -> memref<1x8192xi32, #tpu.memory_space<hbm>>
        %dma_wait3A_168 = tpu.memref_squeeze %dma_wait3A_167 : memref<1x8192xi32, #tpu.memory_space<hbm>> -> memref<8192xi32, #tpu.memory_space<hbm>>
        %dma_wait3A_169 = arith.constant 0 : i32
        %dma_wait3A_170 = tpu.memref_slice %arg3[%add3A_13, %dma_wait3A_169] : memref<128x8192xi32, #tpu.memory_space<hbm>> -> memref<1x8192xi32, #tpu.memory_space<hbm>>
        %dma_wait3A_171 = tpu.memref_squeeze %dma_wait3A_170 : memref<1x8192xi32, #tpu.memory_space<hbm>> -> memref<8192xi32, #tpu.memory_space<hbm>>
        tpu.wait_dma2 semaphore(%run_scoped3A : memref<!tpu.dma_semaphore, #tpu.memory_space<semaphore_mem>>) src(%dma_wait3A_171 : memref<8192xi32, #tpu.memory_space<hbm>>) dst(%arg11 : memref<8192xi32, #tpu.memory_space<vmem>>)
        tpu.yield
      }) : () -> ()
      "tpu.region"() ({
        %run_scoped3A = tpu.sem_alloc : memref<!tpu.dma_semaphore, #tpu.memory_space<semaphore_mem>>
        %dma_start3A = arith.constant 0 : i32
        %dma_start3A_162 = tpu.memref_slice %arg4[%add3A_13, %dma_start3A] : memref<128x8192xi32, #tpu.memory_space<hbm>> -> memref<1x8192xi32, #tpu.memory_space<hbm>>
        %dma_start3A_163 = tpu.memref_squeeze %dma_start3A_162 : memref<1x8192xi32, #tpu.memory_space<hbm>> -> memref<8192xi32, #tpu.memory_space<hbm>>
        %dma_start3A_164 = arith.constant 0 : i32
        %dma_start3A_165 = tpu.memref_slice %arg4[%add3A_13, %dma_start3A_164] : memref<128x8192xi32, #tpu.memory_space<hbm>> -> memref<1x8192xi32, #tpu.memory_space<hbm>>
        %dma_start3A_166 = tpu.memref_squeeze %dma_start3A_165 : memref<1x8192xi32, #tpu.memory_space<hbm>> -> memref<8192xi32, #tpu.memory_space<hbm>>
        tpu.enqueue_dma source(%dma_start3A_166 : memref<8192xi32, #tpu.memory_space<hbm>>) target(%arg12 : memref<8192xi32, #tpu.memory_space<vmem>>) target_semaphore(%run_scoped3A : memref<!tpu.dma_semaphore, #tpu.memory_space<semaphore_mem>>)
        %dma_wait3A = arith.constant 0 : i32
        %dma_wait3A_167 = tpu.memref_slice %arg4[%add3A_13, %dma_wait3A] : memref<128x8192xi32, #tpu.memory_space<hbm>> -> memref<1x8192xi32, #tpu.memory_space<hbm>>
        %dma_wait3A_168 = tpu.memref_squeeze %dma_wait3A_167 : memref<1x8192xi32, #tpu.memory_space<hbm>> -> memref<8192xi32, #tpu.memory_space<hbm>>
        %dma_wait3A_169 = arith.constant 0 : i32
        %dma_wait3A_170 = tpu.memref_slice %arg4[%add3A_13, %dma_wait3A_169] : memref<128x8192xi32, #tpu.memory_space<hbm>> -> memref<1x8192xi32, #tpu.memory_space<hbm>>
        %dma_wait3A_171 = tpu.memref_squeeze %dma_wait3A_170 : memref<1x8192xi32, #tpu.memory_space<hbm>> -> memref<8192xi32, #tpu.memory_space<hbm>>
        tpu.wait_dma2 semaphore(%run_scoped3A : memref<!tpu.dma_semaphore, #tpu.memory_space<semaphore_mem>>) src(%dma_wait3A_171 : memref<8192xi32, #tpu.memory_space<hbm>>) dst(%arg12 : memref<8192xi32, #tpu.memory_space<vmem>>)
        tpu.yield
      }) : () -> ()
      %broadcast_in_dim3A = arith.constant 0 : i32
      %broadcast_in_dim3A_14 = vector.broadcast %broadcast_in_dim3A : i32 to vector<16xi32>
      %scan3A_15 = arith.constant 0 : i32
      %scan3A_16 = arith.constant 512 : i32
      %scan3A_17 = arith.addi %scan3A_15, %scan3A_16 : i32
      %scan3A_18 = arith.constant 1 : i32
      %scan3A_19 = scf.for %scan3A_162 = %scan3A_15 to %scan3A_17 step %scan3A_18 iter_args(%scan3A_163 = %broadcast_in_dim3A_14) -> (vector<16xi32>)  : i32 {
        %mul3A_164 = arith.constant 16 : i32
        %mul3A_165 = arith.muli %scan3A_162, %mul3A_164 : i32
        %get3A_166 = arith.index_cast %mul3A_165 : i32 to index
        %get3A_167 = tpu.vector_load %arg13[%get3A_166] {strides = array<i32>} : memref<8192xi32, #tpu.memory_space<vmem>>, vector<16xi32>,
        %get3A_168 = vector.shape_cast %get3A_167 : vector<16xi32> to vector<16xi32>
        %add3A_169 = arith.addi %scan3A_163, %get3A_168 : vector<16xi32>
        scf.yield %add3A_169 : vector<16xi32>
      }
      %scan3A_20 = arith.constant 512 : i32
      %convert_element_type3A = arith.sitofp %scan3A_19 : vector<16xi32> to vector<16xf32>
      %xor3A = arith.constant 1 : i32
      %xor3A_21 = vector.broadcast %xor3A : i32 to vector<16xi32>
      %xor3A_22 = arith.xori %iota3A, %xor3A_21 : vector<16xi32>
      %broadcast_in_dim3A_23 = vector.shape_cast %xor3A_22 : vector<16xi32> to vector<16x1xi32>
      %gather3A = vector.shape_cast %broadcast_in_dim3A_23 : vector<16x1xi32> to vector<16xi32>
      %gather3A_24 = tpu.dynamic_gather %convert_element_type3A[%gather3A] in [0] : vector<16xf32>, vector<16xi32> -> vector<16xf32>
      %add3A_25 = arith.addf %convert_element_type3A, %gather3A_24 : vector<16xf32>
      %xor3A_26 = arith.constant 2 : i32
      %xor3A_27 = vector.broadcast %xor3A_26 : i32 to vector<16xi32>
      %xor3A_28 = arith.xori %iota3A, %xor3A_27 : vector<16xi32>
      %broadcast_in_dim3A_29 = vector.shape_cast %xor3A_28 : vector<16xi32> to vector<16x1xi32>
      %gather3A_30 = vector.shape_cast %broadcast_in_dim3A_29 : vector<16x1xi32> to vector<16xi32>
      %gather3A_31 = tpu.dynamic_gather %add3A_25[%gather3A_30] in [0] : vector<16xf32>, vector<16xi32> -> vector<16xf32>
      %add3A_32 = arith.addf %add3A_25, %gather3A_31 : vector<16xf32>
      %xor3A_33 = arith.constant 4 : i32
      %xor3A_34 = vector.broadcast %xor3A_33 : i32 to vector<16xi32>
      %xor3A_35 = arith.xori %iota3A, %xor3A_34 : vector<16xi32>
      %broadcast_in_dim3A_36 = vector.shape_cast %xor3A_35 : vector<16xi32> to vector<16x1xi32>
      %gather3A_37 = vector.shape_cast %broadcast_in_dim3A_36 : vector<16x1xi32> to vector<16xi32>
      %gather3A_38 = tpu.dynamic_gather %add3A_32[%gather3A_37] in [0] : vector<16xf32>, vector<16xi32> -> vector<16xf32>
      %add3A_39 = arith.addf %add3A_32, %gather3A_38 : vector<16xf32>
      %xor3A_40 = arith.constant 8 : i32
      %xor3A_41 = vector.broadcast %xor3A_40 : i32 to vector<16xi32>
      %xor3A_42 = arith.xori %iota3A, %xor3A_41 : vector<16xi32>
      %broadcast_in_dim3A_43 = vector.shape_cast %xor3A_42 : vector<16xi32> to vector<16x1xi32>
      %gather3A_44 = vector.shape_cast %broadcast_in_dim3A_43 : vector<16x1xi32> to vector<16xi32>
      %gather3A_45 = tpu.dynamic_gather %add3A_39[%gather3A_44] in [0] : vector<16xf32>, vector<16xi32> -> vector<16xf32>
      %add3A_46 = arith.addf %add3A_39, %gather3A_45 : vector<16xf32>
      %convert_element_type3A_47 = arith.sitofp %get3A_2 : vector<16xi32> to vector<16xf32>
      %lt3A = arith.cmpf olt, %add3A_46, %convert_element_type3A_47 : vector<16xf32>
      %jit3A = arith.constant 1 : i32
      %jit3A_48 = arith.constant 0 : i32
      %broadcast_in_dim3A_49 = vector.broadcast %jit3A : i32 to vector<16xi32>
      %broadcast_in_dim3A_50 = vector.broadcast %jit3A_48 : i32 to vector<16xi32>
      %select_n3A = arith.select %lt3A, %broadcast_in_dim3A_49, %broadcast_in_dim3A_50 : vector<16xi1>, vector<16xi32>
      %scan3A_51 = arith.constant 0 : i32
      %scan3A_52 = arith.constant 0 : i32
      %scan3A_53 = arith.constant 32 : i32
      %scan3A_54 = arith.addi %scan3A_52, %scan3A_53 : i32
      %scan3A_55 = arith.constant 1 : i32
      %scan3A_56 = scf.for %scan3A_162 = %scan3A_52 to %scan3A_54 step %scan3A_55 iter_args(%scan3A_163 = %scan3A_51) -> (i32)  : i32 {
        %broadcast_in_dim3A_164 = arith.constant 0xFF800000 : f32
        %broadcast_in_dim3A_165 = vector.broadcast %broadcast_in_dim3A_164 : f32 to vector<16xf32>
        %broadcast_in_dim3A_166 = arith.constant 1073741824 : i32
        %broadcast_in_dim3A_167 = vector.broadcast %broadcast_in_dim3A_166 : i32 to vector<16xi32>
        %scan3A_168 = arith.constant 0 : i32
        %scan3A_169 = arith.constant 16 : i32
        %scan3A_170 = arith.addi %scan3A_168, %scan3A_169 : i32
        %scan3A_171 = arith.constant 1 : i32
        %scan3A_172:2 = scf.for %scan3A_187 = %scan3A_168 to %scan3A_170 step %scan3A_171 iter_args(%scan3A_188 = %broadcast_in_dim3A_165, %scan3A_189 = %broadcast_in_dim3A_167) -> (vector<16xf32>, vector<16xi32>)  : i32 {
          %mul3A_190 = arith.constant 16 : i32
          %mul3A_191 = arith.muli %scan3A_162, %mul3A_190 : i32
          %add3A_192 = arith.addi %mul3A_191, %scan3A_187 : i32
          %mul3A_193 = arith.constant 16 : i32
          %mul3A_194 = arith.muli %add3A_192, %mul3A_193 : i32
          %get3A_195 = arith.index_cast %mul3A_194 : i32 to index
          %get3A_196 = tpu.vector_load %arg14[%get3A_195] {strides = array<i32>} : memref<8192xf32, #tpu.memory_space<vmem>>, vector<16xf32>,
          %get3A_197 = vector.shape_cast %get3A_196 : vector<16xf32> to vector<16xf32>
          %get3A_198 = arith.index_cast %mul3A_194 : i32 to index
          %get3A_199 = tpu.vector_load %arg13[%get3A_198] {strides = array<i32>} : memref<8192xi32, #tpu.memory_space<vmem>>, vector<16xi32>,
          %get3A_200 = vector.shape_cast %get3A_199 : vector<16xi32> to vector<16xi32>
          %add3A_201 = arith.addi %get3A_200, %select_n3A : vector<16xi32>
          %gt3A = arith.constant 0 : i32
          %gt3A_202 = vector.broadcast %gt3A : i32 to vector<16xi32>
          %gt3A_203 = arith.cmpi sgt, %add3A_201, %gt3A_202 : vector<16xi32>
          %jit3A_204 = arith.constant 0xFF800000 : f32
          %broadcast_in_dim3A_205 = vector.broadcast %jit3A_204 : f32 to vector<16xf32>
          %select_n3A_206 = arith.select %gt3A_203, %get3A_197, %broadcast_in_dim3A_205 : vector<16xi1>, vector<16xf32>
          %swap3A_207 = arith.index_cast %mul3A_194 : i32 to index
          %swap3A_208 = tpu.vector_load %arg14[%swap3A_207] {strides = array<i32>} : memref<8192xf32, #tpu.memory_space<vmem>>, vector<16xf32>,
          %swap3A_209 = vector.shape_cast %swap3A_208 : vector<16xf32> to vector<16xf32>
          %swap3A_210 = vector.shape_cast %select_n3A_206 : vector<16xf32> to vector<16xf32>
          tpu.vector_store %arg14[%swap3A_207], %swap3A_210 {strides = array<i32>} : memref<8192xf32, #tpu.memory_space<vmem>>, vector<16xf32>,
          %gt3A_211 = arith.cmpf ogt, %select_n3A_206, %scan3A_188 : vector<16xf32>
          %select_n3A_212 = arith.select %gt3A_211, %select_n3A_206, %scan3A_188 : vector<16xi1>, vector<16xf32>
          %add3A_213 = vector.broadcast %mul3A_194 : i32 to vector<16xi32>
          %add3A_214 = arith.addi %add3A_213, %iota3A : vector<16xi32>
          %select_n3A_215 = arith.select %gt3A_211, %add3A_214, %scan3A_189 : vector<16xi1>, vector<16xi32>
          scf.yield %select_n3A_212, %select_n3A_215 : vector<16xf32>, vector<16xi32>
        }
        %scan3A_173 = arith.constant 16 : i32
        %mul3A_174 = arith.constant 16 : i32
        %mul3A_175 = arith.muli %scan3A_162, %mul3A_174 : i32
        %swap3A_176 = arith.index_cast %mul3A_175 : i32 to index
        %swap3A_177 = tpu.vector_load %arg15[%swap3A_176] {strides = array<i32>} : memref<512xf32, #tpu.memory_space<vmem>>, vector<16xf32>,
        %swap3A_178 = vector.shape_cast %swap3A_177 : vector<16xf32> to vector<16xf32>
        %swap3A_179 = vector.shape_cast %scan3A_172#0 : vector<16xf32> to vector<16xf32>
        tpu.vector_store %arg15[%swap3A_176], %swap3A_179 {strides = array<i32>} : memref<512xf32, #tpu.memory_space<vmem>>, vector<16xf32>,
        %mul3A_180 = arith.constant 16 : i32
        %mul3A_181 = arith.muli %scan3A_162, %mul3A_180 : i32
        %swap3A_182 = arith.index_cast %mul3A_181 : i32 to index
        %swap3A_183 = tpu.vector_load %arg16[%swap3A_182] {strides = array<i32>} : memref<512xi32, #tpu.memory_space<vmem>>, vector<16xi32>,
        %swap3A_184 = vector.shape_cast %swap3A_183 : vector<16xi32> to vector<16xi32>
        %swap3A_185 = vector.shape_cast %scan3A_172#1 : vector<16xi32> to vector<16xi32>
        tpu.vector_store %arg16[%swap3A_182], %swap3A_185 {strides = array<i32>} : memref<512xi32, #tpu.memory_space<vmem>>, vector<16xi32>,
        %scan3A_186 = arith.constant 0 : i32
        scf.yield %scan3A_186 : i32
      }
      %scan3A_57 = arith.constant 32 : i32
      %broadcast_in_dim3A_58 = arith.constant 0.000000e+00 : f32
      %broadcast_in_dim3A_59 = vector.broadcast %broadcast_in_dim3A_58 : f32 to vector<16xf32>
      %broadcast_in_dim3A_60 = arith.constant 0.000000e+00 : f32
      %broadcast_in_dim3A_61 = vector.broadcast %broadcast_in_dim3A_60 : f32 to vector<16xf32>
      %broadcast_in_dim3A_62 = arith.constant 0 : i32
      %broadcast_in_dim3A_63 = vector.broadcast %broadcast_in_dim3A_62 : i32 to vector<16xi32>
      %broadcast_in_dim3A_64 = arith.constant 0 : i32
      %broadcast_in_dim3A_65 = vector.broadcast %broadcast_in_dim3A_64 : i32 to vector<16xi32>
      %broadcast_in_dim3A_66 = arith.constant 0 : i32
      %broadcast_in_dim3A_67 = vector.broadcast %broadcast_in_dim3A_66 : i32 to vector<16xi32>
      %broadcast_in_dim3A_68 = arith.constant 0 : i32
      %broadcast_in_dim3A_69 = vector.broadcast %broadcast_in_dim3A_68 : i32 to vector<16xi32>
      %scan3A_70 = arith.constant 0 : i32
      %scan3A_71 = arith.constant 32 : i32
      %scan3A_72 = arith.addi %scan3A_70, %scan3A_71 : i32
      %scan3A_73 = arith.constant 1 : i32
      %scan3A_74:6 = scf.for %scan3A_162 = %scan3A_70 to %scan3A_72 step %scan3A_73 iter_args(%scan3A_163 = %broadcast_in_dim3A_59, %scan3A_164 = %broadcast_in_dim3A_61, %scan3A_165 = %broadcast_in_dim3A_63, %scan3A_166 = %broadcast_in_dim3A_65, %scan3A_167 = %broadcast_in_dim3A_67, %scan3A_168 = %broadcast_in_dim3A_69) -> (vector<16xf32>, vector<16xf32>, vector<16xi32>, vector<16xi32>, vector<16xi32>, vector<16xi32>)  : i32 {
        %broadcast_in_dim3A_169 = arith.constant 0xFF800000 : f32
        %broadcast_in_dim3A_170 = vector.broadcast %broadcast_in_dim3A_169 : f32 to vector<16xf32>
        %broadcast_in_dim3A_171 = arith.constant 1073741824 : i32
        %broadcast_in_dim3A_172 = vector.broadcast %broadcast_in_dim3A_171 : i32 to vector<16xi32>
        %scan3A_173 = arith.constant 0 : i32
        %scan3A_174 = arith.constant 32 : i32
        %scan3A_175 = arith.addi %scan3A_173, %scan3A_174 : i32
        %scan3A_176 = arith.constant 1 : i32
        %scan3A_177:2 = scf.for %scan3A_370 = %scan3A_173 to %scan3A_175 step %scan3A_176 iter_args(%scan3A_371 = %broadcast_in_dim3A_170, %scan3A_372 = %broadcast_in_dim3A_172) -> (vector<16xf32>, vector<16xi32>)  : i32 {
          %mul3A_373 = arith.constant 16 : i32
          %mul3A_374 = arith.muli %scan3A_370, %mul3A_373 : i32
          %get3A_375 = arith.index_cast %mul3A_374 : i32 to index
          %get3A_376 = tpu.vector_load %arg15[%get3A_375] {strides = array<i32>} : memref<512xf32, #tpu.memory_space<vmem>>, vector<16xf32>,
          %get3A_377 = vector.shape_cast %get3A_376 : vector<16xf32> to vector<16xf32>
          %mul3A_378 = arith.constant 16 : i32
          %mul3A_379 = arith.muli %scan3A_370, %mul3A_378 : i32
          %get3A_380 = arith.index_cast %mul3A_379 : i32 to index
          %get3A_381 = tpu.vector_load %arg16[%get3A_380] {strides = array<i32>} : memref<512xi32, #tpu.memory_space<vmem>>, vector<16xi32>,
          %get3A_382 = vector.shape_cast %get3A_381 : vector<16xi32> to vector<16xi32>
          %gt3A = arith.cmpf ogt, %get3A_377, %scan3A_371 : vector<16xf32>
          %eq3A_383 = arith.cmpf oeq, %get3A_377, %scan3A_371 : vector<16xf32>
          %lt3A_384 = arith.cmpi slt, %get3A_382, %scan3A_372 : vector<16xi32>
          %and3A = arith.andi %eq3A_383, %lt3A_384 : vector<16xi1>
          %or3A = arith.ori %gt3A, %and3A : vector<16xi1>
          %select_n3A_385 = arith.select %or3A, %get3A_377, %scan3A_371 : vector<16xi1>, vector<16xf32>
          %select_n3A_386 = arith.select %or3A, %get3A_382, %scan3A_372 : vector<16xi1>, vector<16xi32>
          scf.yield %select_n3A_385, %select_n3A_386 : vector<16xf32>, vector<16xi32>
        }
        %scan3A_178 = arith.constant 32 : i32
        %xor3A_179 = arith.constant 1 : i32
        %xor3A_180 = vector.broadcast %xor3A_179 : i32 to vector<16xi32>
        %xor3A_181 = arith.xori %iota3A, %xor3A_180 : vector<16xi32>
        %broadcast_in_dim3A_182 = vector.shape_cast %xor3A_181 : vector<16xi32> to vector<16x1xi32>
        %gather3A_183 = vector.shape_cast %broadcast_in_dim3A_182 : vector<16x1xi32> to vector<16xi32>
        %gather3A_184 = tpu.dynamic_gather %scan3A_177#0[%gather3A_183] in [0] : vector<16xf32>, vector<16xi32> -> vector<16xf32>
        %max3A_185 = arith.maximumf %scan3A_177#0, %gather3A_184 : vector<16xf32>
        %xor3A_186 = arith.constant 2 : i32
        %xor3A_187 = vector.broadcast %xor3A_186 : i32 to vector<16xi32>
        %xor3A_188 = arith.xori %iota3A, %xor3A_187 : vector<16xi32>
        %broadcast_in_dim3A_189 = vector.shape_cast %xor3A_188 : vector<16xi32> to vector<16x1xi32>
        %gather3A_190 = vector.shape_cast %broadcast_in_dim3A_189 : vector<16x1xi32> to vector<16xi32>
        %gather3A_191 = tpu.dynamic_gather %max3A_185[%gather3A_190] in [0] : vector<16xf32>, vector<16xi32> -> vector<16xf32>
        %max3A_192 = arith.maximumf %max3A_185, %gather3A_191 : vector<16xf32>
        %xor3A_193 = arith.constant 4 : i32
        %xor3A_194 = vector.broadcast %xor3A_193 : i32 to vector<16xi32>
        %xor3A_195 = arith.xori %iota3A, %xor3A_194 : vector<16xi32>
        %broadcast_in_dim3A_196 = vector.shape_cast %xor3A_195 : vector<16xi32> to vector<16x1xi32>
        %gather3A_197 = vector.shape_cast %broadcast_in_dim3A_196 : vector<16x1xi32> to vector<16xi32>
        %gather3A_198 = tpu.dynamic_gather %max3A_192[%gather3A_197] in [0] : vector<16xf32>, vector<16xi32> -> vector<16xf32>
        %max3A_199 = arith.maximumf %max3A_192, %gather3A_198 : vector<16xf32>
        %xor3A_200 = arith.constant 8 : i32
        %xor3A_201 = vector.broadcast %xor3A_200 : i32 to vector<16xi32>
        %xor3A_202 = arith.xori %iota3A, %xor3A_201 : vector<16xi32>
        %broadcast_in_dim3A_203 = vector.shape_cast %xor3A_202 : vector<16xi32> to vector<16x1xi32>
        %gather3A_204 = vector.shape_cast %broadcast_in_dim3A_203 : vector<16x1xi32> to vector<16xi32>
        %gather3A_205 = tpu.dynamic_gather %max3A_199[%gather3A_204] in [0] : vector<16xf32>, vector<16xi32> -> vector<16xf32>
        %max3A_206 = arith.maximumf %max3A_199, %gather3A_205 : vector<16xf32>
        %eq3A = arith.cmpf oeq, %scan3A_177#0, %max3A_206 : vector<16xf32>
        %jit3A_207 = arith.constant 1073741824 : i32
        %broadcast_in_dim3A_208 = vector.broadcast %jit3A_207 : i32 to vector<16xi32>
        %select_n3A_209 = arith.select %eq3A, %scan3A_177#1, %broadcast_in_dim3A_208 : vector<16xi1>, vector<16xi32>
        %xor3A_210 = arith.constant 1 : i32
        %xor3A_211 = vector.broadcast %xor3A_210 : i32 to vector<16xi32>
        %xor3A_212 = arith.xori %iota3A, %xor3A_211 : vector<16xi32>
        %broadcast_in_dim3A_213 = vector.shape_cast %xor3A_212 : vector<16xi32> to vector<16x1xi32>
        %gather3A_214 = vector.shape_cast %broadcast_in_dim3A_213 : vector<16x1xi32> to vector<16xi32>
        %gather3A_215 = tpu.dynamic_gather %select_n3A_209[%gather3A_214] in [0] : vector<16xi32>, vector<16xi32> -> vector<16xi32>
        %min3A = arith.minsi %select_n3A_209, %gather3A_215 : vector<16xi32>
        %xor3A_216 = arith.constant 2 : i32
        %xor3A_217 = vector.broadcast %xor3A_216 : i32 to vector<16xi32>
        %xor3A_218 = arith.xori %iota3A, %xor3A_217 : vector<16xi32>
        %broadcast_in_dim3A_219 = vector.shape_cast %xor3A_218 : vector<16xi32> to vector<16x1xi32>
        %gather3A_220 = vector.shape_cast %broadcast_in_dim3A_219 : vector<16x1xi32> to vector<16xi32>
        %gather3A_221 = tpu.dynamic_gather %min3A[%gather3A_220] in [0] : vector<16xi32>, vector<16xi32> -> vector<16xi32>
        %min3A_222 = arith.minsi %min3A, %gather3A_221 : vector<16xi32>
        %xor3A_223 = arith.constant 4 : i32
        %xor3A_224 = vector.broadcast %xor3A_223 : i32 to vector<16xi32>
        %xor3A_225 = arith.xori %iota3A, %xor3A_224 : vector<16xi32>
        %broadcast_in_dim3A_226 = vector.shape_cast %xor3A_225 : vector<16xi32> to vector<16x1xi32>
        %gather3A_227 = vector.shape_cast %broadcast_in_dim3A_226 : vector<16x1xi32> to vector<16xi32>
        %gather3A_228 = tpu.dynamic_gather %min3A_222[%gather3A_227] in [0] : vector<16xi32>, vector<16xi32> -> vector<16xi32>
        %min3A_229 = arith.minsi %min3A_222, %gather3A_228 : vector<16xi32>
        %xor3A_230 = arith.constant 8 : i32
        %xor3A_231 = vector.broadcast %xor3A_230 : i32 to vector<16xi32>
        %xor3A_232 = arith.xori %iota3A, %xor3A_231 : vector<16xi32>
        %broadcast_in_dim3A_233 = vector.shape_cast %xor3A_232 : vector<16xi32> to vector<16x1xi32>
        %gather3A_234 = vector.shape_cast %broadcast_in_dim3A_233 : vector<16x1xi32> to vector<16xi32>
        %gather3A_235 = tpu.dynamic_gather %min3A_229[%gather3A_234] in [0] : vector<16xi32>, vector<16xi32> -> vector<16xi32>
        %min3A_236 = arith.minsi %min3A_229, %gather3A_235 : vector<16xi32>
        %slice3A = vector.extract_strided_slice %min3A_236 {offsets = [0], sizes = [1], strides = [1]} : vector<16xi32> to vector<1xi32>
        %squeeze3A = vector.extract %slice3A[0] : i32 from vector<1xi32>
        %div3A_237 = arith.constant 16 : i32
        %div3A_238 = arith.divsi %squeeze3A, %div3A_237 : i32
        %mul3A_239 = arith.constant 16 : i32
        %mul3A_240 = arith.muli %div3A_238, %mul3A_239 : i32
        %sub3A_241 = arith.subi %squeeze3A, %mul3A_240 : i32
        %eq3A_242 = vector.broadcast %sub3A_241 : i32 to vector<16xi32>
        %eq3A_243 = arith.cmpi eq, %iota3A, %eq3A_242 : vector<16xi32>
        %get3A_244 = arith.index_cast %mul3A_240 : i32 to index
        %get3A_245 = tpu.vector_load %arg11[%get3A_244] {strides = array<i32>} : memref<8192xi32, #tpu.memory_space<vmem>>, vector<16xi32>,
        %get3A_246 = vector.shape_cast %get3A_245 : vector<16xi32> to vector<16xi32>
        %jit3A_247 = arith.constant -1 : i32
        %broadcast_in_dim3A_248 = vector.broadcast %jit3A_247 : i32 to vector<16xi32>
        %select_n3A_249 = arith.select %eq3A_243, %get3A_246, %broadcast_in_dim3A_248 : vector<16xi1>, vector<16xi32>
        %xor3A_250 = arith.constant 1 : i32
        %xor3A_251 = vector.broadcast %xor3A_250 : i32 to vector<16xi32>
        %xor3A_252 = arith.xori %iota3A, %xor3A_251 : vector<16xi32>
        %broadcast_in_dim3A_253 = vector.shape_cast %xor3A_252 : vector<16xi32> to vector<16x1xi32>
        %gather3A_254 = vector.shape_cast %broadcast_in_dim3A_253 : vector<16x1xi32> to vector<16xi32>
        %gather3A_255 = tpu.dynamic_gather %select_n3A_249[%gather3A_254] in [0] : vector<16xi32>, vector<16xi32> -> vector<16xi32>
        %max3A_256 = arith.maxsi %select_n3A_249, %gather3A_255 : vector<16xi32>
        %xor3A_257 = arith.constant 2 : i32
        %xor3A_258 = vector.broadcast %xor3A_257 : i32 to vector<16xi32>
        %xor3A_259 = arith.xori %iota3A, %xor3A_258 : vector<16xi32>
        %broadcast_in_dim3A_260 = vector.shape_cast %xor3A_259 : vector<16xi32> to vector<16x1xi32>
        %gather3A_261 = vector.shape_cast %broadcast_in_dim3A_260 : vector<16x1xi32> to vector<16xi32>
        %gather3A_262 = tpu.dynamic_gather %max3A_256[%gather3A_261] in [0] : vector<16xi32>, vector<16xi32> -> vector<16xi32>
        %max3A_263 = arith.maxsi %max3A_256, %gather3A_262 : vector<16xi32>
        %xor3A_264 = arith.constant 4 : i32
        %xor3A_265 = vector.broadcast %xor3A_264 : i32 to vector<16xi32>
        %xor3A_266 = arith.xori %iota3A, %xor3A_265 : vector<16xi32>
        %broadcast_in_dim3A_267 = vector.shape_cast %xor3A_266 : vector<16xi32> to vector<16x1xi32>
        %gather3A_268 = vector.shape_cast %broadcast_in_dim3A_267 : vector<16x1xi32> to vector<16xi32>
        %gather3A_269 = tpu.dynamic_gather %max3A_263[%gather3A_268] in [0] : vector<16xi32>, vector<16xi32> -> vector<16xi32>
        %max3A_270 = arith.maxsi %max3A_263, %gather3A_269 : vector<16xi32>
        %xor3A_271 = arith.constant 8 : i32
        %xor3A_272 = vector.broadcast %xor3A_271 : i32 to vector<16xi32>
        %xor3A_273 = arith.xori %iota3A, %xor3A_272 : vector<16xi32>
        %broadcast_in_dim3A_274 = vector.shape_cast %xor3A_273 : vector<16xi32> to vector<16x1xi32>
        %gather3A_275 = vector.shape_cast %broadcast_in_dim3A_274 : vector<16x1xi32> to vector<16xi32>
        %gather3A_276 = tpu.dynamic_gather %max3A_270[%gather3A_275] in [0] : vector<16xi32>, vector<16xi32> -> vector<16xi32>
        %max3A_277 = arith.maxsi %max3A_270, %gather3A_276 : vector<16xi32>
        %get3A_278 = arith.index_cast %mul3A_240 : i32 to index
        %get3A_279 = tpu.vector_load %arg12[%get3A_278] {strides = array<i32>} : memref<8192xi32, #tpu.memory_space<vmem>>, vector<16xi32>,
        %get3A_280 = vector.shape_cast %get3A_279 : vector<16xi32> to vector<16xi32>
        %jit3A_281 = arith.constant -1 : i32
        %broadcast_in_dim3A_282 = vector.broadcast %jit3A_281 : i32 to vector<16xi32>
        %select_n3A_283 = arith.select %eq3A_243, %get3A_280, %broadcast_in_dim3A_282 : vector<16xi1>, vector<16xi32>
        %xor3A_284 = arith.constant 1 : i32
        %xor3A_285 = vector.broadcast %xor3A_284 : i32 to vector<16xi32>
        %xor3A_286 = arith.xori %iota3A, %xor3A_285 : vector<16xi32>
        %broadcast_in_dim3A_287 = vector.shape_cast %xor3A_286 : vector<16xi32> to vector<16x1xi32>
        %gather3A_288 = vector.shape_cast %broadcast_in_dim3A_287 : vector<16x1xi32> to vector<16xi32>
        %gather3A_289 = tpu.dynamic_gather %select_n3A_283[%gather3A_288] in [0] : vector<16xi32>, vector<16xi32> -> vector<16xi32>
        %max3A_290 = arith.maxsi %select_n3A_283, %gather3A_289 : vector<16xi32>
        %xor3A_291 = arith.constant 2 : i32
        %xor3A_292 = vector.broadcast %xor3A_291 : i32 to vector<16xi32>
        %xor3A_293 = arith.xori %iota3A, %xor3A_292 : vector<16xi32>
        %broadcast_in_dim3A_294 = vector.shape_cast %xor3A_293 : vector<16xi32> to vector<16x1xi32>
        %gather3A_295 = vector.shape_cast %broadcast_in_dim3A_294 : vector<16x1xi32> to vector<16xi32>
        %gather3A_296 = tpu.dynamic_gather %max3A_290[%gather3A_295] in [0] : vector<16xi32>, vector<16xi32> -> vector<16xi32>
        %max3A_297 = arith.maxsi %max3A_290, %gather3A_296 : vector<16xi32>
        %xor3A_298 = arith.constant 4 : i32
        %xor3A_299 = vector.broadcast %xor3A_298 : i32 to vector<16xi32>
        %xor3A_300 = arith.xori %iota3A, %xor3A_299 : vector<16xi32>
        %broadcast_in_dim3A_301 = vector.shape_cast %xor3A_300 : vector<16xi32> to vector<16x1xi32>
        %gather3A_302 = vector.shape_cast %broadcast_in_dim3A_301 : vector<16x1xi32> to vector<16xi32>
        %gather3A_303 = tpu.dynamic_gather %max3A_297[%gather3A_302] in [0] : vector<16xi32>, vector<16xi32> -> vector<16xi32>
        %max3A_304 = arith.maxsi %max3A_297, %gather3A_303 : vector<16xi32>
        %xor3A_305 = arith.constant 8 : i32
        %xor3A_306 = vector.broadcast %xor3A_305 : i32 to vector<16xi32>
        %xor3A_307 = arith.xori %iota3A, %xor3A_306 : vector<16xi32>
        %broadcast_in_dim3A_308 = vector.shape_cast %xor3A_307 : vector<16xi32> to vector<16x1xi32>
        %gather3A_309 = vector.shape_cast %broadcast_in_dim3A_308 : vector<16x1xi32> to vector<16xi32>
        %gather3A_310 = tpu.dynamic_gather %max3A_304[%gather3A_309] in [0] : vector<16xi32>, vector<16xi32> -> vector<16xi32>
        %max3A_311 = arith.maxsi %max3A_304, %gather3A_310 : vector<16xi32>
        %eq3A_312 = vector.broadcast %scan3A_162 : i32 to vector<16xi32>
        %eq3A_313 = arith.cmpi eq, %iota3A, %eq3A_312 : vector<16xi32>
        %select_n3A_314 = arith.select %eq3A_313, %max3A_206, %scan3A_163 : vector<16xi1>, vector<16xf32>
        %sub3A_315 = arith.constant 16 : i32
        %sub3A_316 = arith.subi %scan3A_162, %sub3A_315 : i32
        %eq3A_317 = vector.broadcast %sub3A_316 : i32 to vector<16xi32>
        %eq3A_318 = arith.cmpi eq, %iota3A, %eq3A_317 : vector<16xi32>
        %select_n3A_319 = arith.select %eq3A_318, %max3A_206, %scan3A_164 : vector<16xi1>, vector<16xf32>
        %eq3A_320 = vector.broadcast %scan3A_162 : i32 to vector<16xi32>
        %eq3A_321 = arith.cmpi eq, %iota3A, %eq3A_320 : vector<16xi32>
        %select_n3A_322 = arith.select %eq3A_321, %max3A_277, %scan3A_165 : vector<16xi1>, vector<16xi32>
        %sub3A_323 = arith.constant 16 : i32
        %sub3A_324 = arith.subi %scan3A_162, %sub3A_323 : i32
        %eq3A_325 = vector.broadcast %sub3A_324 : i32 to vector<16xi32>
        %eq3A_326 = arith.cmpi eq, %iota3A, %eq3A_325 : vector<16xi32>
        %select_n3A_327 = arith.select %eq3A_326, %max3A_277, %scan3A_166 : vector<16xi1>, vector<16xi32>
        %eq3A_328 = vector.broadcast %scan3A_162 : i32 to vector<16xi32>
        %eq3A_329 = arith.cmpi eq, %iota3A, %eq3A_328 : vector<16xi32>
        %select_n3A_330 = arith.select %eq3A_329, %max3A_311, %scan3A_167 : vector<16xi1>, vector<16xi32>
        %sub3A_331 = arith.constant 16 : i32
        %sub3A_332 = arith.subi %scan3A_162, %sub3A_331 : i32
        %eq3A_333 = vector.broadcast %sub3A_332 : i32 to vector<16xi32>
        %eq3A_334 = arith.cmpi eq, %iota3A, %eq3A_333 : vector<16xi32>
        %select_n3A_335 = arith.select %eq3A_334, %max3A_311, %scan3A_168 : vector<16xi1>, vector<16xi32>
        %get3A_336 = arith.index_cast %mul3A_240 : i32 to index
        %get3A_337 = tpu.vector_load %arg14[%get3A_336] {strides = array<i32>} : memref<8192xf32, #tpu.memory_space<vmem>>, vector<16xf32>,
        %get3A_338 = vector.shape_cast %get3A_337 : vector<16xf32> to vector<16xf32>
        %jit3A_339 = arith.constant 0xFF800000 : f32
        %broadcast_in_dim3A_340 = vector.broadcast %jit3A_339 : f32 to vector<16xf32>
        %select_n3A_341 = arith.select %eq3A_243, %broadcast_in_dim3A_340, %get3A_338 : vector<16xi1>, vector<16xf32>
        %swap3A_342 = arith.index_cast %mul3A_240 : i32 to index
        %swap3A_343 = tpu.vector_load %arg14[%swap3A_342] {strides = array<i32>} : memref<8192xf32, #tpu.memory_space<vmem>>, vector<16xf32>,
        %swap3A_344 = vector.shape_cast %swap3A_343 : vector<16xf32> to vector<16xf32>
        %swap3A_345 = vector.shape_cast %select_n3A_341 : vector<16xf32> to vector<16xf32>
        tpu.vector_store %arg14[%swap3A_342], %swap3A_345 {strides = array<i32>} : memref<8192xf32, #tpu.memory_space<vmem>>, vector<16xf32>,
        %div3A_346 = arith.constant 256 : i32
        %div3A_347 = arith.divsi %squeeze3A, %div3A_346 : i32
        %broadcast_in_dim3A_348 = arith.constant 0xFF800000 : f32
        %broadcast_in_dim3A_349 = vector.broadcast %broadcast_in_dim3A_348 : f32 to vector<16xf32>
        %broadcast_in_dim3A_350 = arith.constant 1073741824 : i32
        %broadcast_in_dim3A_351 = vector.broadcast %broadcast_in_dim3A_350 : i32 to vector<16xi32>
        %scan3A_352 = arith.constant 0 : i32
        %scan3A_353 = arith.constant 16 : i32
        %scan3A_354 = arith.addi %scan3A_352, %scan3A_353 : i32
        %scan3A_355 = arith.constant 1 : i32
        %scan3A_356:2 = scf.for %scan3A_370 = %scan3A_352 to %scan3A_354 step %scan3A_355 iter_args(%scan3A_371 = %broadcast_in_dim3A_349, %scan3A_372 = %broadcast_in_dim3A_351) -> (vector<16xf32>, vector<16xi32>)  : i32 {
          %mul3A_373 = arith.constant 256 : i32
          %mul3A_374 = arith.muli %div3A_347, %mul3A_373 : i32
          %mul3A_375 = arith.constant 16 : i32
          %mul3A_376 = arith.muli %scan3A_370, %mul3A_375 : i32
          %add3A_377 = arith.addi %mul3A_374, %mul3A_376 : i32
          %get3A_378 = arith.index_cast %add3A_377 : i32 to index
          %get3A_379 = tpu.vector_load %arg14[%get3A_378] {strides = array<i32>} : memref<8192xf32, #tpu.memory_space<vmem>>, vector<16xf32>,
          %get3A_380 = vector.shape_cast %get3A_379 : vector<16xf32> to vector<16xf32>
          %gt3A = arith.cmpf ogt, %get3A_380, %scan3A_371 : vector<16xf32>
          %select_n3A_381 = arith.select %gt3A, %get3A_380, %scan3A_371 : vector<16xi1>, vector<16xf32>
          %add3A_382 = vector.broadcast %add3A_377 : i32 to vector<16xi32>
          %add3A_383 = arith.addi %add3A_382, %iota3A : vector<16xi32>
          %select_n3A_384 = arith.select %gt3A, %add3A_383, %scan3A_372 : vector<16xi1>, vector<16xi32>
          scf.yield %select_n3A_381, %select_n3A_384 : vector<16xf32>, vector<16xi32>
        }
        %scan3A_357 = arith.constant 16 : i32
        %mul3A_358 = arith.constant 16 : i32
        %mul3A_359 = arith.muli %div3A_347, %mul3A_358 : i32
        %swap3A_360 = arith.index_cast %mul3A_359 : i32 to index
        %swap3A_361 = tpu.vector_load %arg15[%swap3A_360] {strides = array<i32>} : memref<512xf32, #tpu.memory_space<vmem>>, vector<16xf32>,
        %swap3A_362 = vector.shape_cast %swap3A_361 : vector<16xf32> to vector<16xf32>
        %swap3A_363 = vector.shape_cast %scan3A_356#0 : vector<16xf32> to vector<16xf32>
        tpu.vector_store %arg15[%swap3A_360], %swap3A_363 {strides = array<i32>} : memref<512xf32, #tpu.memory_space<vmem>>, vector<16xf32>,
        %mul3A_364 = arith.constant 16 : i32
        %mul3A_365 = arith.muli %div3A_347, %mul3A_364 : i32
        %swap3A_366 = arith.index_cast %mul3A_365 : i32 to index
        %swap3A_367 = tpu.vector_load %arg16[%swap3A_366] {strides = array<i32>} : memref<512xi32, #tpu.memory_space<vmem>>, vector<16xi32>,
        %swap3A_368 = vector.shape_cast %swap3A_367 : vector<16xi32> to vector<16xi32>
        %swap3A_369 = vector.shape_cast %scan3A_356#1 : vector<16xi32> to vector<16xi32>
        tpu.vector_store %arg16[%swap3A_366], %swap3A_369 {strides = array<i32>} : memref<512xi32, #tpu.memory_space<vmem>>, vector<16xi32>,
        scf.yield %select_n3A_314, %select_n3A_319, %select_n3A_322, %select_n3A_327, %select_n3A_330, %select_n3A_335 : vector<16xf32>, vector<16xf32>, vector<16xi32>, vector<16xi32>, vector<16xi32>, vector<16xi32>
      }
      %scan3A_75 = arith.constant 32 : i32
      %xor3A_76 = arith.constant 1 : i32
      %xor3A_77 = vector.broadcast %xor3A_76 : i32 to vector<16xi32>
      %xor3A_78 = arith.xori %iota3A, %xor3A_77 : vector<16xi32>
      %broadcast_in_dim3A_79 = vector.shape_cast %xor3A_78 : vector<16xi32> to vector<16x1xi32>
      %gather3A_80 = vector.shape_cast %broadcast_in_dim3A_79 : vector<16x1xi32> to vector<16xi32>
      %gather3A_81 = tpu.dynamic_gather %scan3A_74#0[%gather3A_80] in [0] : vector<16xf32>, vector<16xi32> -> vector<16xf32>
      %max3A = arith.maximumf %scan3A_74#0, %gather3A_81 : vector<16xf32>
      %xor3A_82 = arith.constant 2 : i32
      %xor3A_83 = vector.broadcast %xor3A_82 : i32 to vector<16xi32>
      %xor3A_84 = arith.xori %iota3A, %xor3A_83 : vector<16xi32>
      %broadcast_in_dim3A_85 = vector.shape_cast %xor3A_84 : vector<16xi32> to vector<16x1xi32>
      %gather3A_86 = vector.shape_cast %broadcast_in_dim3A_85 : vector<16x1xi32> to vector<16xi32>
      %gather3A_87 = tpu.dynamic_gather %max3A[%gather3A_86] in [0] : vector<16xf32>, vector<16xi32> -> vector<16xf32>
      %max3A_88 = arith.maximumf %max3A, %gather3A_87 : vector<16xf32>
      %xor3A_89 = arith.constant 4 : i32
      %xor3A_90 = vector.broadcast %xor3A_89 : i32 to vector<16xi32>
      %xor3A_91 = arith.xori %iota3A, %xor3A_90 : vector<16xi32>
      %broadcast_in_dim3A_92 = vector.shape_cast %xor3A_91 : vector<16xi32> to vector<16x1xi32>
      %gather3A_93 = vector.shape_cast %broadcast_in_dim3A_92 : vector<16x1xi32> to vector<16xi32>
      %gather3A_94 = tpu.dynamic_gather %max3A_88[%gather3A_93] in [0] : vector<16xf32>, vector<16xi32> -> vector<16xf32>
      %max3A_95 = arith.maximumf %max3A_88, %gather3A_94 : vector<16xf32>
      %xor3A_96 = arith.constant 8 : i32
      %xor3A_97 = vector.broadcast %xor3A_96 : i32 to vector<16xi32>
      %xor3A_98 = arith.xori %iota3A, %xor3A_97 : vector<16xi32>
      %broadcast_in_dim3A_99 = vector.shape_cast %xor3A_98 : vector<16xi32> to vector<16x1xi32>
      %gather3A_100 = vector.shape_cast %broadcast_in_dim3A_99 : vector<16x1xi32> to vector<16xi32>
      %gather3A_101 = tpu.dynamic_gather %max3A_95[%gather3A_100] in [0] : vector<16xf32>, vector<16xi32> -> vector<16xf32>
      %max3A_102 = arith.maximumf %max3A_95, %gather3A_101 : vector<16xf32>
      %sub3A = arith.subf %scan3A_74#0, %max3A_102 : vector<16xf32>
      %exp3A = math.exp %sub3A : vector<16xf32>
      %sub3A_103 = arith.subf %scan3A_74#1, %max3A_102 : vector<16xf32>
      %exp3A_104 = math.exp %sub3A_103 : vector<16xf32>
      %add3A_105 = arith.addf %exp3A, %exp3A_104 : vector<16xf32>
      %xor3A_106 = arith.constant 1 : i32
      %xor3A_107 = vector.broadcast %xor3A_106 : i32 to vector<16xi32>
      %xor3A_108 = arith.xori %iota3A, %xor3A_107 : vector<16xi32>
      %broadcast_in_dim3A_109 = vector.shape_cast %xor3A_108 : vector<16xi32> to vector<16x1xi32>
      %gather3A_110 = vector.shape_cast %broadcast_in_dim3A_109 : vector<16x1xi32> to vector<16xi32>
      %gather3A_111 = tpu.dynamic_gather %add3A_105[%gather3A_110] in [0] : vector<16xf32>, vector<16xi32> -> vector<16xf32>
      %add3A_112 = arith.addf %add3A_105, %gather3A_111 : vector<16xf32>
      %xor3A_113 = arith.constant 2 : i32
      %xor3A_114 = vector.broadcast %xor3A_113 : i32 to vector<16xi32>
      %xor3A_115 = arith.xori %iota3A, %xor3A_114 : vector<16xi32>
      %broadcast_in_dim3A_116 = vector.shape_cast %xor3A_115 : vector<16xi32> to vector<16x1xi32>
      %gather3A_117 = vector.shape_cast %broadcast_in_dim3A_116 : vector<16x1xi32> to vector<16xi32>
      %gather3A_118 = tpu.dynamic_gather %add3A_112[%gather3A_117] in [0] : vector<16xf32>, vector<16xi32> -> vector<16xf32>
      %add3A_119 = arith.addf %add3A_112, %gather3A_118 : vector<16xf32>
      %xor3A_120 = arith.constant 4 : i32
      %xor3A_121 = vector.broadcast %xor3A_120 : i32 to vector<16xi32>
      %xor3A_122 = arith.xori %iota3A, %xor3A_121 : vector<16xi32>
      %broadcast_in_dim3A_123 = vector.shape_cast %xor3A_122 : vector<16xi32> to vector<16x1xi32>
      %gather3A_124 = vector.shape_cast %broadcast_in_dim3A_123 : vector<16x1xi32> to vector<16xi32>
      %gather3A_125 = tpu.dynamic_gather %add3A_119[%gather3A_124] in [0] : vector<16xf32>, vector<16xi32> -> vector<16xf32>
      %add3A_126 = arith.addf %add3A_119, %gather3A_125 : vector<16xf32>
      %xor3A_127 = arith.constant 8 : i32
      %xor3A_128 = vector.broadcast %xor3A_127 : i32 to vector<16xi32>
      %xor3A_129 = arith.xori %iota3A, %xor3A_128 : vector<16xi32>
      %broadcast_in_dim3A_130 = vector.shape_cast %xor3A_129 : vector<16xi32> to vector<16x1xi32>
      %gather3A_131 = vector.shape_cast %broadcast_in_dim3A_130 : vector<16x1xi32> to vector<16xi32>
      %gather3A_132 = tpu.dynamic_gather %add3A_126[%gather3A_131] in [0] : vector<16xf32>, vector<16xi32> -> vector<16xf32>
      %add3A_133 = arith.addf %add3A_126, %gather3A_132 : vector<16xf32>
      %div3A = arith.constant 1.000000e+00 : f32
      %div3A_134 = vector.broadcast %div3A : f32 to vector<16xf32>
      %div3A_135 = arith.divf %div3A_134, %add3A_133 : vector<16xf32>
      %mul3A_136 = arith.mulf %exp3A, %div3A_135 : vector<16xf32>
      %swap3A = arith.constant 0 : index
      %swap3A_137 = tpu.vector_load %arg19[%swap3A] {strides = array<i32>} : memref<32xf32, #tpu.memory_space<vmem>>, vector<16xf32>,
      %swap3A_138 = vector.shape_cast %swap3A_137 : vector<16xf32> to vector<16xf32>
      %swap3A_139 = vector.shape_cast %mul3A_136 : vector<16xf32> to vector<16xf32>
      tpu.vector_store %arg19[%swap3A], %swap3A_139 {strides = array<i32>} : memref<32xf32, #tpu.memory_space<vmem>>, vector<16xf32>,
      %mul3A_140 = arith.mulf %exp3A_104, %div3A_135 : vector<16xf32>
      %swap3A_141 = arith.constant 16 : index
      %swap3A_142 = tpu.vector_load %arg19[%swap3A_141] {strides = array<i32>} : memref<32xf32, #tpu.memory_space<vmem>>, vector<16xf32>,
      %swap3A_143 = vector.shape_cast %swap3A_142 : vector<16xf32> to vector<16xf32>
      %swap3A_144 = vector.shape_cast %mul3A_140 : vector<16xf32> to vector<16xf32>
      tpu.vector_store %arg19[%swap3A_141], %swap3A_144 {strides = array<i32>} : memref<32xf32, #tpu.memory_space<vmem>>, vector<16xf32>,
      %swap3A_145 = arith.constant 0 : index
      %swap3A_146 = tpu.vector_load %arg17[%swap3A_145] {strides = array<i32>} : memref<32xi32, #tpu.memory_space<vmem>>, vector<16xi32>,
      %swap3A_147 = vector.shape_cast %swap3A_146 : vector<16xi32> to vector<16xi32>
      %swap3A_148 = vector.shape_cast %scan3A_74#2 : vector<16xi32> to vector<16xi32>
      tpu.vector_store %arg17[%swap3A_145], %swap3A_148 {strides = array<i32>} : memref<32xi32, #tpu.memory_space<vmem>>, vector<16xi32>,
      %swap3A_149 = arith.constant 16 : index
      %swap3A_150 = tpu.vector_load %arg17[%swap3A_149] {strides = array<i32>} : memref<32xi32, #tpu.memory_space<vmem>>, vector<16xi32>,
      %swap3A_151 = vector.shape_cast %swap3A_150 : vector<16xi32> to vector<16xi32>
      %swap3A_152 = vector.shape_cast %scan3A_74#3 : vector<16xi32> to vector<16xi32>
      tpu.vector_store %arg17[%swap3A_149], %swap3A_152 {strides = array<i32>} : memref<32xi32, #tpu.memory_space<vmem>>, vector<16xi32>,
      %swap3A_153 = arith.constant 0 : index
      %swap3A_154 = tpu.vector_load %arg18[%swap3A_153] {strides = array<i32>} : memref<32xi32, #tpu.memory_space<vmem>>, vector<16xi32>,
      %swap3A_155 = vector.shape_cast %swap3A_154 : vector<16xi32> to vector<16xi32>
      %swap3A_156 = vector.shape_cast %scan3A_74#4 : vector<16xi32> to vector<16xi32>
      tpu.vector_store %arg18[%swap3A_153], %swap3A_156 {strides = array<i32>} : memref<32xi32, #tpu.memory_space<vmem>>, vector<16xi32>,
      %swap3A_157 = arith.constant 16 : index
      %swap3A_158 = tpu.vector_load %arg18[%swap3A_157] {strides = array<i32>} : memref<32xi32, #tpu.memory_space<vmem>>, vector<16xi32>,
      %swap3A_159 = vector.shape_cast %swap3A_158 : vector<16xi32> to vector<16xi32>
      %swap3A_160 = vector.shape_cast %scan3A_74#5 : vector<16xi32> to vector<16xi32>
      tpu.vector_store %arg18[%swap3A_157], %swap3A_160 {strides = array<i32>} : memref<32xi32, #tpu.memory_space<vmem>>, vector<16xi32>,
      "tpu.region"() ({
        %run_scoped3A = tpu.sem_alloc : memref<!tpu.dma_semaphore, #tpu.memory_space<semaphore_mem>>
        %dma_start3A = arith.constant 0 : i32
        %dma_start3A_162 = tpu.memref_slice %arg7[%add3A_13, %dma_start3A] : memref<128x32xi32, #tpu.memory_space<hbm>> -> memref<1x32xi32, #tpu.memory_space<hbm>>
        %dma_start3A_163 = tpu.memref_squeeze %dma_start3A_162 : memref<1x32xi32, #tpu.memory_space<hbm>> -> memref<32xi32, #tpu.memory_space<hbm>>
        %dma_start3A_164 = arith.constant 0 : i32
        %dma_start3A_165 = tpu.memref_slice %arg7[%add3A_13, %dma_start3A_164] : memref<128x32xi32, #tpu.memory_space<hbm>> -> memref<1x32xi32, #tpu.memory_space<hbm>>
        %dma_start3A_166 = tpu.memref_squeeze %dma_start3A_165 : memref<1x32xi32, #tpu.memory_space<hbm>> -> memref<32xi32, #tpu.memory_space<hbm>>
        tpu.enqueue_dma source(%arg17 : memref<32xi32, #tpu.memory_space<vmem>>) target(%dma_start3A_166 : memref<32xi32, #tpu.memory_space<hbm>>) target_semaphore(%run_scoped3A : memref<!tpu.dma_semaphore, #tpu.memory_space<semaphore_mem>>)
        %dma_wait3A = arith.constant 0 : i32
        %dma_wait3A_167 = tpu.memref_slice %arg7[%add3A_13, %dma_wait3A] : memref<128x32xi32, #tpu.memory_space<hbm>> -> memref<1x32xi32, #tpu.memory_space<hbm>>
        %dma_wait3A_168 = tpu.memref_squeeze %dma_wait3A_167 : memref<1x32xi32, #tpu.memory_space<hbm>> -> memref<32xi32, #tpu.memory_space<hbm>>
        %dma_wait3A_169 = arith.constant 0 : i32
        %dma_wait3A_170 = tpu.memref_slice %arg7[%add3A_13, %dma_wait3A_169] : memref<128x32xi32, #tpu.memory_space<hbm>> -> memref<1x32xi32, #tpu.memory_space<hbm>>
        %dma_wait3A_171 = tpu.memref_squeeze %dma_wait3A_170 : memref<1x32xi32, #tpu.memory_space<hbm>> -> memref<32xi32, #tpu.memory_space<hbm>>
        tpu.wait_dma2 semaphore(%run_scoped3A : memref<!tpu.dma_semaphore, #tpu.memory_space<semaphore_mem>>) src(%arg17 : memref<32xi32, #tpu.memory_space<vmem>>) dst(%dma_wait3A_171 : memref<32xi32, #tpu.memory_space<hbm>>)
        tpu.yield
      }) : () -> ()
      "tpu.region"() ({
        %run_scoped3A = tpu.sem_alloc : memref<!tpu.dma_semaphore, #tpu.memory_space<semaphore_mem>>
        %dma_start3A = arith.constant 0 : i32
        %dma_start3A_162 = tpu.memref_slice %arg8[%add3A_13, %dma_start3A] : memref<128x32xi32, #tpu.memory_space<hbm>> -> memref<1x32xi32, #tpu.memory_space<hbm>>
        %dma_start3A_163 = tpu.memref_squeeze %dma_start3A_162 : memref<1x32xi32, #tpu.memory_space<hbm>> -> memref<32xi32, #tpu.memory_space<hbm>>
        %dma_start3A_164 = arith.constant 0 : i32
        %dma_start3A_165 = tpu.memref_slice %arg8[%add3A_13, %dma_start3A_164] : memref<128x32xi32, #tpu.memory_space<hbm>> -> memref<1x32xi32, #tpu.memory_space<hbm>>
        %dma_start3A_166 = tpu.memref_squeeze %dma_start3A_165 : memref<1x32xi32, #tpu.memory_space<hbm>> -> memref<32xi32, #tpu.memory_space<hbm>>
        tpu.enqueue_dma source(%arg18 : memref<32xi32, #tpu.memory_space<vmem>>) target(%dma_start3A_166 : memref<32xi32, #tpu.memory_space<hbm>>) target_semaphore(%run_scoped3A : memref<!tpu.dma_semaphore, #tpu.memory_space<semaphore_mem>>)
        %dma_wait3A = arith.constant 0 : i32
        %dma_wait3A_167 = tpu.memref_slice %arg8[%add3A_13, %dma_wait3A] : memref<128x32xi32, #tpu.memory_space<hbm>> -> memref<1x32xi32, #tpu.memory_space<hbm>>
        %dma_wait3A_168 = tpu.memref_squeeze %dma_wait3A_167 : memref<1x32xi32, #tpu.memory_space<hbm>> -> memref<32xi32, #tpu.memory_space<hbm>>
        %dma_wait3A_169 = arith.constant 0 : i32
        %dma_wait3A_170 = tpu.memref_slice %arg8[%add3A_13, %dma_wait3A_169] : memref<128x32xi32, #tpu.memory_space<hbm>> -> memref<1x32xi32, #tpu.memory_space<hbm>>
        %dma_wait3A_171 = tpu.memref_squeeze %dma_wait3A_170 : memref<1x32xi32, #tpu.memory_space<hbm>> -> memref<32xi32, #tpu.memory_space<hbm>>
        tpu.wait_dma2 semaphore(%run_scoped3A : memref<!tpu.dma_semaphore, #tpu.memory_space<semaphore_mem>>) src(%arg18 : memref<32xi32, #tpu.memory_space<vmem>>) dst(%dma_wait3A_171 : memref<32xi32, #tpu.memory_space<hbm>>)
        tpu.yield
      }) : () -> ()
      "tpu.region"() ({
        %run_scoped3A = tpu.sem_alloc : memref<!tpu.dma_semaphore, #tpu.memory_space<semaphore_mem>>
        %dma_start3A = arith.constant 0 : i32
        %dma_start3A_162 = tpu.memref_slice %arg9[%add3A_13, %dma_start3A] : memref<128x32xf32, #tpu.memory_space<hbm>> -> memref<1x32xf32, #tpu.memory_space<hbm>>
        %dma_start3A_163 = tpu.memref_squeeze %dma_start3A_162 : memref<1x32xf32, #tpu.memory_space<hbm>> -> memref<32xf32, #tpu.memory_space<hbm>>
        %dma_start3A_164 = arith.constant 0 : i32
        %dma_start3A_165 = tpu.memref_slice %arg9[%add3A_13, %dma_start3A_164] : memref<128x32xf32, #tpu.memory_space<hbm>> -> memref<1x32xf32, #tpu.memory_space<hbm>>
        %dma_start3A_166 = tpu.memref_squeeze %dma_start3A_165 : memref<1x32xf32, #tpu.memory_space<hbm>> -> memref<32xf32, #tpu.memory_space<hbm>>
        tpu.enqueue_dma source(%arg19 : memref<32xf32, #tpu.memory_space<vmem>>) target(%dma_start3A_166 : memref<32xf32, #tpu.memory_space<hbm>>) target_semaphore(%run_scoped3A : memref<!tpu.dma_semaphore, #tpu.memory_space<semaphore_mem>>)
        %dma_wait3A = arith.constant 0 : i32
        %dma_wait3A_167 = tpu.memref_slice %arg9[%add3A_13, %dma_wait3A] : memref<128x32xf32, #tpu.memory_space<hbm>> -> memref<1x32xf32, #tpu.memory_space<hbm>>
        %dma_wait3A_168 = tpu.memref_squeeze %dma_wait3A_167 : memref<1x32xf32, #tpu.memory_space<hbm>> -> memref<32xf32, #tpu.memory_space<hbm>>
        %dma_wait3A_169 = arith.constant 0 : i32
        %dma_wait3A_170 = tpu.memref_slice %arg9[%add3A_13, %dma_wait3A_169] : memref<128x32xf32, #tpu.memory_space<hbm>> -> memref<1x32xf32, #tpu.memory_space<hbm>>
        %dma_wait3A_171 = tpu.memref_squeeze %dma_wait3A_170 : memref<1x32xf32, #tpu.memory_space<hbm>> -> memref<32xf32, #tpu.memory_space<hbm>>
        tpu.wait_dma2 semaphore(%run_scoped3A : memref<!tpu.dma_semaphore, #tpu.memory_space<semaphore_mem>>) src(%arg19 : memref<32xf32, #tpu.memory_space<vmem>>) dst(%dma_wait3A_171 : memref<32xf32, #tpu.memory_space<hbm>>)
        tpu.yield
      }) : () -> ()
      %scan3A_161 = arith.constant 0 : i32
      scf.yield %scan3A_161 : i32
    }
    %scan3A_8 = arith.constant 4 : i32
    return
  }
}

</mosaic_0001>

<sc_bundles>
// kernel: kernel.3.cloned.1.call-start
scs
__scs_entry_jumppad:
0x0: {  	(pc) =	sbr.rel $0x88, $3  }
0x1: {  	(tag) =	ssettag $0x0;
	lr =	simm.s32 $0x1  }
0x2: {  	[smem:$0x3F9C] =	sst lr;
	_ =	strace $0xD0000000  }
0x3: {  	_ = 	snop  }
0x4: {  	_ = 	snop  }
0x5: {  	_ = 	snop  }
0x6: {  	_ = 	snop  }
0x7: {  	_ = 	snop  }
__scs_overlays_trampoline_lowered:
0x8: {  	[smem:$0x3FAB] =	sst s0  }
0x9: {  	[smem:$0x3FAC] =	sst s1  }
0xa: {  	[smem:$0x3FAD] =	sst s2  }
0xb: {  	[smem:$0x3FAE] =	sst s3  }
0xc: {  	[smem:$0x3FAF] =	sst s4  }
0xd: {  	[smem:$0x3FB0] =	sst s5  }
0xe: {  	[smem:$0x3FB1] =	sst s6  }
0xf: {  	[smem:$0x3FB2] =	sst s7  }
0x10: {  	[smem:$0x3FB3] =	sst s8  }
0x11: {  	[smem:$0x3FB4] =	sst s9;
	s0 =	simm.s32 @!p0 $0x0  }
0x12: {  	s1 =	sld [smem:$0x3F9A];
	s0 =	simm.s32 @p0 $0x1  }
0x13: {  	[smem:$0x3FB5] =	sst s0;
	s0 =	simm.s32 @!p1 $0x0  }
0x14: {  	s2 =	sld [smem:$0x3F99];
	s0 =	simm.s32 @p1 $0x1  }
0x15: {  	[smem:$0x3FB6] =	sst s0;
	s0 =	simm.s32 @!p2 $0x0  }
0x16: {  	s3 =	sld [smem:$0x3FDB];
	s0 =	simm.s32 @p2 $0x1  }
0x17: {  	s4 =	simm.s32 $0x1BF5;
	[smem:$0x3FB8] =	sst s0  }
0x18: {  	s0 =	sld [smem:$0x3F9B];
	_ =	swait.ge [sflag:s4], $0x0  }
0x19: {  	s7 =	sld [smem:$0x3F9C]  }
0x1a: {  	s8 =	sadd.s32 $0xFFFFE003, lr  }
0x1b: {  	s9 =	sadd.s32 $0xFFFFFEF7, lr;
	s5 =	simm.s32 $0xFFFFFFFF;
	p2 =	slt.u32 s8, $0xFFFFF086  }
0x1c: {  	p1 =	slt.u32 s9, $0xF7A;
	s5 =	simm.s32 @!p2 $0x0  }
0x1d: {  	s5 =	simm.s32 @p1 $0x1;
	p0 =	seq.s32 s7, s2  }
0x1e: {  	s7 =	smul.u32 @!p0 $0xF7A, s2;
	p2 =	seq.s32 @!p0 s5, $0x0  }
0x1f: {  	s9 =	smul.u32 $0xF7A, s1;
	s8 =	simm.s32 @!p0 $0x1BF5;
	p2 =	por !p2, p0  }
0x20: {  	[sflag:s8] =	ssyncset.s32 @!p0 $0xFFFFF086;
	s6 =	sadd.s32 @!p0 s3, s7;
	s7 =	simm.s32 @!p0 $0x108  }
0x21: {  	s3 =	sadd.s32 s3, s9;
	s6 =	sadd.s32 @!p0 $0x88, s6;
	s7 =	simm.s32 @p2 $0x1082  }
0x22: {  	[simem:s7], [sflag:s8] =	dma.local @!p0 [hbm:s6], $0xF7A  }
0x23: {  	s9 =	sor.u32 $0xD0000000, s2;
	s6 =	simm.s32 $0x108;
	_ =	swait.ge @!p0 [sflag:s8], $0x0  }
0x24: {  	s3 =	sadd.s32 $0x88, s3;
	s6 =	simm.s32 @!p1 $0x1082;
	[sflag:s4] =	ssyncset.s32 $0xFFFFF086  }
0x25: {  	[simem:s6], [sflag:s4] =	dma.local [hbm:s3], $0xF7A  }
0x26: {  	[smem:$0x3F9C] =	sst s1;
	(tag) =	ssettag s2;
	_ =	strace s9  }
0x27: {  	s1 =	sld [smem:$0x3FAC]  }
0x28: {  	s2 =	sld [smem:$0x3FAD]  }
0x29: {  	s4 =	sld [smem:$0x3FAF]  }
0x2a: {  	p0 =	seq.s32 s5, $0x0;
	s5 =	sld [smem:$0x3FB0]  }
0x2b: {  	s6 =	sld [smem:$0x3FB1]  }
0x2c: {  	s7 =	sld [smem:$0x3FB2]  }
0x2d: {  	s3 =	simm.s32 $0x108;
	s8 =	sld [smem:$0x3FB3]  }
0x2e: {  	s3 =	simm.s32 @!p0 $0x1082;
	s9 =	sld [smem:$0x3FB4]  }
0x2f: {  	lr =	sadd.s32 s0, s3;
	s0 =	sld [smem:$0x3FAB]  }
0x30: {  	s3 =	sld [smem:$0x3FAE]  }
0x31: {  	[smem:$0x3FB7] =	sst s10  }
0x32: {  	s10 =	sld [smem:$0x3FB5];
	_ =	sdelay $0x3  }
0x33: {  	p0 =	seq.s32 s10, $0x1;
	s10 =	sld [smem:$0x3FB7];
	_ =	sdelay $0x3  }
0x34: {  	[smem:$0x3FB7] =	sst s10  }
0x35: {  	s10 =	sld [smem:$0x3FB6];
	_ =	sdelay $0x3  }
0x36: {  	p1 =	seq.s32 s10, $0x1;
	s10 =	sld [smem:$0x3FB7];
	_ =	sdelay $0x3  }
0x37: {  	[smem:$0x3FB7] =	sst s10  }
0x38: {  	s10 =	sld [smem:$0x3FB8]  }
0x39: {  	_ = 	snop;
	(pc) =	sbr.ind lr, $3  }
0x3a: {  	_ = 	snop  }
0x3b: {  	_ = 	snop  }
0x3c: {  	p2 =	seq.s32 s10, $0x1;
	s10 =	sld [smem:$0x3FB7]  }
0x3d: {  	_ =	shalt  }
0x3e: {  	_ =	shalt  }
0x3f: {  	_ =	shalt  }
0x40: {  	_ =	shalt  }
0x41: {  	_ =	shalt  }
0x42: {  	_ =	shalt  }
0x43: {  	_ =	shalt  }
0x44: {  	_ =	shalt  }
0x45: {  	_ =	shalt  }
0x46: {  	_ =	shalt  }
0x47: {  	_ =	shalt  }
0x48: {  	_ =	shalt  }
0x49: {  	_ =	shalt  }
0x4a: {  	_ =	shalt  }
0x4b: {  	_ =	shalt  }
0x4c: {  	_ =	shalt  }
0x4d: {  	_ =	shalt  }
0x4e: {  	_ =	shalt  }
0x4f: {  	_ =	shalt  }
0x50: {  	_ =	shalt  }
0x51: {  	_ =	shalt  }
0x52: {  	_ =	shalt  }
0x53: {  	_ =	shalt  }
0x54: {  	_ =	shalt  }
0x55: {  	_ =	shalt  }
0x56: {  	_ =	shalt  }
0x57: {  	_ =	shalt  }
0x58: {  	_ =	shalt  }
0x59: {  	_ =	shalt  }
0x5a: {  	_ =	shalt  }
0x5b: {  	_ =	shalt  }
0x5c: {  	_ =	shalt  }
0x5d: {  	_ =	shalt  }
0x5e: {  	_ =	shalt  }
0x5f: {  	_ =	shalt  }
0x60: {  	_ =	shalt  }
0x61: {  	_ =	shalt  }
0x62: {  	_ =	shalt  }
0x63: {  	_ =	shalt  }
0x64: {  	_ =	shalt  }
0x65: {  	_ =	shalt  }
0x66: {  	_ =	shalt  }
0x67: {  	_ =	shalt  }
0x68: {  	_ =	shalt  }
0x69: {  	_ =	shalt  }
0x6a: {  	_ =	shalt  }
0x6b: {  	_ =	shalt  }
0x6c: {  	_ =	shalt  }
0x6d: {  	_ =	shalt  }
0x6e: {  	_ =	shalt  }
0x6f: {  	_ =	shalt  }
0x70: {  	_ =	shalt  }
0x71: {  	_ =	shalt  }
0x72: {  	_ =	shalt  }
0x73: {  	_ =	shalt  }
0x74: {  	_ =	shalt  }
0x75: {  	_ =	shalt  }
0x76: {  	_ =	shalt  }
0x77: {  	_ =	shalt  }
0x78: {  	_ =	shalt  }
0x79: {  	_ =	shalt  }
0x7a: {  	_ =	shalt  }
0x7b: {  	_ =	shalt  }
0x7c: {  	_ =	shalt  }
0x7d: {  	_ =	shalt  }
0x7e: {  	_ =	shalt  }
0x7f: {  	_ =	shalt  }
0x80: {  	_ =	shalt  }
0x81: {  	_ =	shalt  }
0x82: {  	_ =	shalt  }
0x83: {  	_ =	shalt  }
0x84: {  	_ =	shalt  }
0x85: {  	_ =	shalt  }
0x86: {  	_ =	shalt  }
0x87: {  	_ =	shalt  }
.Lfunc_end0:
.L_simem_size_0:
called_computation_lowered:
.L_overlay_start_0:
0x88: {  	s2 =	sld [smem:$0x3FD9]  }
0x89: {  	s3 =	sld [smem:$0x3FFE];
	_ =	sdelay $0x1  }
0x8a: {  	s1 =	srdreg.scid  }
0x8b: {  	s0 =	sand.u32 $0x1, s1  }
0x8c: {  	s14 =	sshll.u32 s0, $0xA;
	s2 =	sadd.s32 s3, s2  }
0x8d: {  	s2 =	sadd.s32 s2, s14  }
0x8e: {  	[smem:$0x3FC3] =	sst s2  }
0x8f: {  	_ = 	snop  }
0x90: {  	s2 =	sld [smem:$0x3FC9]  }
0x91: {  	s15 =	sld [smem:$0x3FD0]  }
0x92: {  	s4 =	sld [smem:$0x3FC8]  }
0x93: {  	s5 =	sld [smem:$0x3FC7]  }
0x94: {  	s7 =	simm.s32 $0xA;
	s8 =	simm.s32 $0x10;
	s6 =	sld [smem:$0x3FC6]  }
0x95: {  	[smem:s8], [sflag:s7] =	dma.local [hbm:s15], $0x1  }
0x96: {  	_ =	swait.eq [sflag:s7], $0x1  }
0x97: {  	[sflag:s7] =	ssyncset.done $0x0  }
0x98: {  	[sflag:s7] =	ssyncadd.s32 $0xFFFFFFFF  }
0x99: {  	s16 =	sld [smem:$0x12];
	(tm) =	ssettm $0x1  }
0x9a: {  	s17 =	sld [smem:$0x3FFB];
	_ =	sdelay $0x3  }
0x9b: {  	_ =	strace s17  }
0x9c: {  	s7 =	sld [smem:$0x3FFC];
	_ =	sdelay $0x3  }
0x9d: {  	_ =	strace s7  }
0x9e: {  	s7 =	sld [smem:$0x3FFD];
	_ =	sdelay $0x3  }
0x9f: {  	_ =	strace s7  }
0xa0: {  	_ =	strace $0x8FFFFFFF  }
0xa1: {  	s18 =	sld [smem:$0x3FDB];
	_ =	sdelay $0x1  }
0xa2: {  	s19 =	simm.s32 $_scs_section_size  }
0xa3: {  	s9 =	simm.s32 $_size__tile_overlayer_lowered;
	s10 =	simm.s32 $_tile_overlayer_lowered  }
0xa4: {  	s22 =	simm.s32 $0x1BFF;
	s21 =	sshll.u32 s10, $0x1;
	s7 =	sadd.s32 s19, s18  }
0xa5: {  	s11 =	simm.s32 $0x0;
	s20 =	sshll.u32 s9, $0x1;
	s9 =	sadd.s32 s21, s7  }
0xa6: {  	[timem:s11], [sflag:s22] =	dma.local [hbm:s9], s20  }
0xa7: {  	_ =	swait.ge [sflag:s22], s20  }
0xa8: {  	s8 =	ssub.s32 $0x0, s20;
	[sflag:s22] =	ssyncset.done $0x0  }
0xa9: {  	[sflag:s22] =	ssyncadd.s32 s8;
	_ =	sdelay $0x1  }
0xaa: {  	s23 =	simm.s32 $0x1B8B  }
0xab: {  	_ =	swait.ge [sflag:s23], $0x1  }
0xac: {  	[sflag:s23] =	ssyncset.done $0x0  }
0xad: {  	s25 =	simm.s32 $0x1B8E;
	s24 =	sld [smem:$0x3FFE];
	[sflag:s23] =	ssyncadd.s32 $0xFFFFFFFF  }
0xae: {  	s26 =	simm.s32 $execute0_lowered;
	[smem:$0x3FD2] =	sst s25  }
0xaf: {  	s9 =	sshll.u32 s26, $0x1;
	_ =	strace $0x80000046;
	[dreg:$0x1] =	wrdreg $0xFFFFFFFF  }
0xb0: {  	s28 =	simm.s32 $_size_execute0_lowered;
	s7 =	sadd.s32 s7, s9;
	[dreg:$0x0] =	wrdreg $0x0  }
0xb1: {  	s9 =	sshll.u32 s28, $0x1;
	[dreg:$0x2] =	wrdreg s7  }
0xb2: {  	[dreg:$0x3] =	wrdreg s9  }
0xb3: {  	[dreg:$0x4] =	wrdreg $0xC0  }
0xb4: {  	_ =	task [dreg:s11], $0x5FFFF  }
0xb5: {  	[dreg:$0x1] =	wrdreg $0xFFFFFFFF  }
0xb6: {  	[dreg:$0x0] =	wrdreg $0x60  }
0xb7: {  	[dreg:$0x2] =	wrdreg s16  }
0xb8: {  	[dreg:$0x3] =	wrdreg s2  }
0xb9: {  	[dreg:$0x4] =	wrdreg s4  }
0xba: {  	[dreg:$0x5] =	wrdreg s5  }
0xbb: {  	[dreg:$0x6] =	wrdreg s6  }
0xbc: {  	[dreg:$0x7] =	wrdreg s24  }
0xbd: {  	[dreg:$0x8] =	wrdreg $0x9  }
0xbe: {  	_ =	task.clear_ibuf [dreg:s11], $0x9FFFF;
	_ =	strace $0x90000046  }
0xbf: {  	s29 =	simm.s32 $0x9;
	_ =	strace $0x80000048  }
0xc0: {  	_ =	swait.ge [sflag:s29], $0x1  }
0xc1: {  	[sflag:s29] =	ssyncadd.s32 $0xFFFFFFFF  }
0xc2: {  	_ =	strace $0x90000048  }
0xc3: {  	_ =	sfence  }
0xc4: {  	s30 =	sld [smem:$0x0];
	_ =	sdelay $0x2  }
0xc5: {  	s31 =	sshll.u32 s1, $0xD;
	s1 =	sshrl.u32 s1, $0x2  }
0xc6: {  	s3 =	sand.u32 $0x4000, s31;
	s1 =	sadd.s32 s1, s30  }
0xc7: {  	s0 =	sor.u32 s3, s0;
	s1 =	sshll.u32 s1, $0x11  }
0xc8: {  	s0 =	sor.u32 s1, s0  }
0xc9: {  	s0 =	sadd.s32 $0x8F2B, s0  }
0xca: {  	[sflag:s0] =	ssyncadd.remote.s32 $0x1  }
0xcb: {  	_ =	sfence.sel $0xFFFF  }
0xcc: {  	[dreg:$0x0] =	wrdreg $0xFFFFFFFF;
	(pc) =	sbr.abs _section_cstart, $3  }
0xcd: {  	[dreg:$0x1] =	wrdreg $0xFFFFFFFF  }
0xce: {  	_ =	task.clear_ibuf [dreg:s11], $0x2FFFF;
	_ =	strace $0x9FFFFFFF  }
0xcf: {  	(tm) =	ssettm $0x7FFFFFFF  }
tec
execute0_lowered:
.L_overlay_start_1:
0x0: {  	(tag) =	ssettag $0x1  }
0x1: {  	s1 =	rddreg [dreg:$0x1]  }
0x2: {  	s2 =	rddreg [dreg:$0x2]  }
0x3: {  	v0 =	vimm.s32 $0xEFCDAB89;
	s3 =	rddreg [dreg:$0x3];
	v1 =	vimm.s32 $0x67452301  }
0x4: {  	s5 =	rddreg [dreg:$0x4];
	v2 =	vimm.s32 $0xDCFE98BA;
	v3 =	vimm.s32 $0x54761032;
	v4 =	vimm.s32 $0xBA98FEDC  }
0x5: {  	s0 =	rddreg [dreg:$0x5];
	v5 =	vimm.s32 $0x32107654;
	v6 =	vimm.s32 $0xFEDCBA98;
	v7 =	vimm.s32 $0x76543210  }
0x6: {  	s6 =	simm.s32 $0x0;
	s4 =	srdreg.scid;
	s13 =	stileid.u32;
	v0 =	vunpack.c.l.s4.s8 v0;
	v1 =	vunpack.c.l.s4.s8 v1;
	v2 =	vunpack.c.l.s4.s8 v2  }
0x7: {  	s15 =	simm.s32 $0x1;
	s16 =	simm.s32 $0x80;
	s17 =	simm.s32 $0x400;
	v3 =	vunpack.c.l.s4.s8 v3;
	v4 =	vunpack.c.l.s4.s8 v4;
	v5 =	vunpack.c.l.s4.s8 v5  }
0x8: {  	s18 =	simm.s32 $0x4080;
	s19 =	simm.s32 $0x6080;
	s20 =	simm.s32 $0x2080;
	v6 =	vunpack.c.l.s4.s8 v6;
	v7 =	vunpack.c.l.s4.s8 v7;
	v0 =	vunpack.c.0.s8.s32 v0  }
0x9: {  	s21 =	simm.s32 $0x8480;
	s22 =	simm.s32 $0x8500;
	s4 =	sand.u32 $0x1, s4;
	v1 =	vunpack.c.0.s8.s32 v1;
	v2 =	vunpack.c.0.s8.s32 v2;
	v3 =	vunpack.c.0.s8.s32 v3  }
0xa: {  	s23 =	simm.s32 $0x8580;
	s24 =	simm.s32 $0x0;
	s9 =	ssub.s32 $0x2, s4;
	v4 =	vunpack.c.0.s8.s32 v4;
	v5 =	vunpack.c.0.s8.s32 v5;
	v6 =	vunpack.c.0.s8.s32 v6  }
0xb: {  	[smem:$0x7FF] =	sst s6;
	s7 =	sadd.s32 $0x800, s0;
	s31 =	sshrl.u32 s9, $0x1;
	v7 =	vunpack.c.0.s8.s32 v7;
	v0 =	vcombine.low v1, v0  }
0xc: {  	s8 =	sadd.s32 $0x1000, s0;
	s10 =	sadd.s32 $0x1800, s0;
	s0 =	ssub.s32 s9, s31;
	v1 =	vcombine.low v3, v2;
	v2 =	vcombine.low v5, v4;
	v3 =	vand.u32 $0xF, v6  }
0xd: {  	s12 =	sshll.u32 s13, $0x10;
	s13 =	sshll.u32 s13, $0xA;
	s0 =	smax.u32 s0, $0x1;
	v4 =	vimm.s32 $0x0;
	v5 =	vlaneseq.u32;
	v3 =	vcombine.low v3, v7  }
0xe: {  	_ =	strace $0x80000047;
	s11 =	sshll.u32 s4, $0x9;
	[dreg:$0x7] =	wrdreg s0;
	v6 =	vand.u32 $0xF, v0;
	v7 =	vand.u32 $0xF, v1;
	v8 =	vand.u32 $0xF, v2  }
.LBB2_1:
0xf: {  	s0 =	rddreg [dreg:$0x0]  }
0x10: {  	[tilespmem:s6], [sflag:$0x1] =	stream.linear.gather [hbm4b:s0+s6], $0x80, $0x38;
	[tilespmem:$0x8600] =	vst v63  }
0x11: {  	_ =	swait.ge [sflag:s15], $0x80  }
0x12: {  	[sflag:s15] =	ssyncset.done $0x0  }
0x13: {  	[sflag:s15] =	ssyncadd.s32 $0xFFFFFF80  }
0x14: {  	v9 =	vld [tilespmem:$0x0];
	_ =	sdelay $0x4  }
0x15: {  	s25 =	simm.s32 $0x0;
	v9 =	vcvt.s32.f32 v9  }
.LBB2_2:
0x16: {  	s0 =	sshll.u32 s25, $0x7  }
0x17: {  	s26 =	sadd.s32 s11, s0  }
0x18: {  	s0 =	sadd.s32 s12, s26  }
0x19: {  	s0 =	sshrl.u32 s0, $0x3  }
0x1a: {  	s4 =	sadd.s32 s3, s0  }
0x1b: {  	[tilespmem:s18], [sflag:$0x1] =	stream.strided.gather [hbm4b:s4+s16], $0x2000, s17, s16, $0x38;
	[tilespmem:$0x8600] =	vst v63  }
0x1c: {  	_ =	swait.ge [sflag:s15], $0x2000  }
0x1d: {  	[sflag:s15] =	ssyncset.done $0x0  }
0x1e: {  	s29 =	sadd.s32 s5, s0;
	[sflag:s15] =	ssyncadd.s32 $0xFFFFE000  }
0x1f: {  	[tilespmem:s19], [sflag:$0x1] =	stream.strided.gather [hbm4b:s29+s16], $0x2000, s17, s16, $0x38;
	[tilespmem:$0x8600] =	vst v63  }
0x20: {  	_ =	swait.ge [sflag:s15], $0x2000  }
0x21: {  	[sflag:s15] =	ssyncset.done $0x0  }
0x22: {  	s30 =	sadd.s32 s1, s0;
	[sflag:s15] =	ssyncadd.s32 $0xFFFFE000  }
0x23: {  	[tilespmem:s16], [sflag:$0x1] =	stream.strided.gather [hbm4b:s30+s16], $0x2000, s17, s16, $0x38;
	[tilespmem:$0x8600] =	vst v63  }
0x24: {  	_ =	swait.ge [sflag:s15], $0x2000  }
0x25: {  	[sflag:s15] =	ssyncset.done $0x0  }
0x26: {  	s0 =	sadd.s32 s2, s0;
	[sflag:s15] =	ssyncadd.s32 $0xFFFFE000  }
0x27: {  	[tilespmem:s20], [sflag:$0x1] =	stream.strided.gather [hbm4b:s0+s16], $0x2000, s17, s16, $0x38;
	[tilespmem:$0x8600] =	vst v63  }
0x28: {  	_ =	swait.ge [sflag:s15], $0x2000  }
0x29: {  	[sflag:s15] =	ssyncset.done $0x0  }
0x2a: {  	s31 =	simm.s32 $0x0;
	[sflag:s15] =	ssyncadd.s32 $0xFFFFE000  }
0x2b: {  	v10 =	vimm.s32 $0x0;
	s0 =	simm.s32 $0x40;
	v11 =	vld [tilespmem:s31+$0x4080]  }
.LBB2_3:
0x2c: {  	p0 =	sne.s32 s0, $0x7FC0  }
.Ltmp0:
0x2d: {  	_ = 	snop;
	(pc) =	sbr.rel @p0 .LBB2_3-.Ltmp0, $3  }
0x2e: {  	_ =	sdelay $0x1  }
0x2f: {  	s4 =	sshra.s32 s0, $0x2;
	s0 =	sadd.s32 $0x40, s0;
	v10 =	vadd.s32 v10, v11  }
0x30: {  	v11 =	vld [tilespmem:s4+$0x4080]  }
0x31: {  	_ =	sdelay $0x3  }
0x32: {  	v10 =	vadd.s32 v10, v11  }
0x33: {  	v10 =	vcvt.s32.f32 v10;
	_ =	sdelay $0x1  }
0x34: {  	v11 =	vperm.xlane v10, v0;
	_ =	sdelay $0x1  }
0x35: {  	v10 =	vadd.f32 v10, v11;
	_ =	sdelay $0x1  }
0x36: {  	v11 =	vperm.xlane v10, v1;
	_ =	sdelay $0x1  }
0x37: {  	v10 =	vadd.f32 v11, v10;
	_ =	sdelay $0x1  }
0x38: {  	v11 =	vperm.xlane v10, v2;
	_ =	sdelay $0x1  }
0x39: {  	v10 =	vadd.f32 v11, v10;
	_ =	sdelay $0x1  }
0x3a: {  	v11 =	vperm.xlane v10, v3;
	_ =	sdelay $0x1  }
0x3b: {  	v10 =	vadd.f32 v11, v10;
	_ =	sdelay $0x1  }
0x3c: {  	s9 =	simm.s32 $0x0;
	vm0 =	vlt.f32 v10, v9  }
0x3d: {  	s29 =	simm.s32 $0x4080;
	s30 =	simm.s32 $0x6080;
	s31 =	simm.s32 $0x0;
	v10 =	vsel vm0, $0x1, v4  }
.LBB2_5:
0x3e: {  	v13 =	vmov s29;
	_ =	sdelay $0x1  }
0x3f: {  	v11 =	vmov s30;
	_ =	sdelay $0x1  }
0x40: {  	s4 =	simm.s32 $0x0  }
0x41: {  	v12 =	vld.idx.msk [tilespmem:v13+s4+$0x0 ss:$0x1], $0xffff;
	_ =	sdelay $0x1  }
0x42: {  	v15 =	vld.idx.msk [tilespmem:v11+s4+$0x0 ss:$0x1], $0xffff;
	_ =	sdelay $0x2  }
0x43: {  	v12 =	vadd.s32 v10, v12  }
0x44: {  	vm0 =	vgt.s32 v12, $0x0  }
0x45: {  	v14 =	vimm.f32 $-Inf;
	s14 =	simm.s32 $0x40;
	s0 =	simm.s32 $0x80;
	s28 =	smov.u32 s9;
	v12 =	vimm.s32 $0x40000000;
	v15 =	vnsel vm0, $0xFF800000, v15  }
.LBB2_6:
0x46: {  	p0 =	sne.s32 s0, $0x3C0;
	[tilespmem:v11+s4+$0x0 ss:$0x1] =	vst.idx.msk $0xffff, v15;
	s4 =	sshra.s32 s14, $0x2;
	vm0 =	vgt.f32 v15, v14;
	v16 =	vor.u32 s28, v5;
	s14 =	smov.u32 s0  }
0x47: {  	v17 =	vld.idx.msk [tilespmem:v13+s4+$0x0 ss:$0x1], $0xffff;
	v14 =	vsel vm0, v15, v14;
	v12 =	vsel vm0, v16, v12;
	_ =	sdelay $0x1  }
0x48: {  	v15 =	vld.idx.msk [tilespmem:v11+s4+$0x0 ss:$0x1], $0xffff;
	_ =	sdelay $0x1  }
.Ltmp1:
0x49: {  	(pc) =	sbr.rel @p0 .LBB2_6-.Ltmp1, $4  }
0x4a: {  	_ = 	snop  }
0x4b: {  	v16 =	vadd.s32 v10, v17  }
0x4c: {  	vm0 =	vgt.s32 v16, $0x0  }
0x4d: {  	s0 =	sadd.s32 $0x40, s0;
	s28 =	sadd.s32 $0x10, s28;
	v15 =	vnsel vm0, $0xFF800000, v15  }
0x4e: {  	_ =	sdelay $0x3  }
0x4f: {  	s0 =	sshra.s32 s14, $0x2;
	[tilespmem:v11+s4+$0x0 ss:$0x1] =	vst.idx.msk $0xffff, v15  }
0x50: {  	v13 =	vld.idx.msk [tilespmem:v13+s0+$0x0 ss:$0x1], $0xffff;
	_ =	sdelay $0x1  }
0x51: {  	v16 =	vld.idx.msk [tilespmem:v11+s0+$0x0 ss:$0x1], $0xffff;
	_ =	sdelay $0x2  }
0x52: {  	v63 =	vor.u32 s28, v5;
	s14 =	sadd.s32 $0x10, s28;
	s28 =	sshll.u32 s31, $0x4;
	s31 =	sadd.s32 $0x1, s31;
	v13 =	vadd.s32 v10, v13  }
0x53: {  	vm0 =	vgt.f32 v15, v14;
	p0 =	sne.s32 s31, $0x20;
	vm1 =	vgt.s32 v13, $0x0  }
.Ltmp2:
0x54: {  	v61 =	vsel vm0, v15, v14;
	v62 =	vnsel vm1, $0xFF800000, v16;
	(pc) =	sbr.rel @p0 .LBB2_5-.Ltmp2, $4  }
0x55: {  	vm1 =	vgt.f32 v62, v61  }
0x56: {  	v12 =	vsel vm0, v63, v12;
	[tilespmem:v11+s0+$0x0 ss:$0x1] =	vst.idx.msk $0xffff, v62;
	v11 =	vor.u32 s14, v5;
	v13 =	vsel vm1, v62, v61  }
0x57: {  	v11 =	vsel vm1, v11, v12;
	[tilespmem:s28+$0x8080] =	vst v13  }
0x58: {  	s9 =	sadd.s32 $0x100, s9;
	s29 =	sadd.s32 $0x100, s29;
	s30 =	sadd.s32 $0x100, s30;
	[tilespmem:s28+$0x8280] =	vst v11  }
0x59: {  	v14 =	vimm.f32 $0.0e+00;
	v10 =	vimm.s32 $0x0;
	v11 =	vimm.s32 $0x0  }
0x5a: {  	s28 =	simm.s32 $0x0;
	v12 =	vimm.s32 $0x0;
	v13 =	vimm.s32 $0x0;
	v15 =	vimm.f32 $0.0e+00  }
.LBB2_9:
0x5b: {  	s4 =	simm.s32 $0x0  }
0x5c: {  	v19 =	vld [tilespmem:s4+$0x8080]  }
0x5d: {  	v18 =	vld [tilespmem:s4+$0x8280];
	_ =	sdelay $0x1  }
0x5e: {  	v16 =	vimm.f32 $-Inf;
	v17 =	vimm.s32 $0x40000000;
	s0 =	simm.s32 $0x40  }
.LBB2_10:
0x5f: {  	p0 =	sne.s32 s0, $0x7C0  }
.Ltmp3:
0x60: {  	s4 =	sshra.s32 s0, $0x2;
	v20 =	vmov v19;
	(pc) =	sbr.rel @p0 .LBB2_10-.Ltmp3, $4  }
0x61: {  	s0 =	sadd.s32 $0x40, s0;
	v19 =	vld [tilespmem:s4+$0x8080];
	vm0 =	veq.f32 v20, v16;
	vm1 =	vlt.s32 v18, v17;
	v21 =	vmov v18  }
0x62: {  	vm2 =	vgt.f32 v20, v16;
	v18 =	vld [tilespmem:s4+$0x8280];
	vm0 =	vmand vm0, vm1  }
0x63: {  	vm0 =	vmor vm2, vm0  }
0x64: {  	v16 =	vsel vm0, v20, v16;
	v17 =	vsel vm0, v21, v17  }
0x65: {  	_ =	sdelay $0x1  }
0x66: {  	vm0 =	veq.f32 v19, v16;
	vm1 =	vlt.s32 v18, v17  }
0x67: {  	vm2 =	vgt.f32 v19, v16;
	vm0 =	vmand vm0, vm1  }
0x68: {  	vm0 =	vmor vm2, vm0  }
0x69: {  	v19 =	vsel vm0, v19, v16  }
0x6a: {  	v16 =	vperm.xlane v19, v6;
	_ =	sdelay $0x1  }
0x6b: {  	v16 =	vmax.f32 v19, v16  }
0x6c: {  	v20 =	vperm.xlane v16, v7;
	_ =	sdelay $0x1  }
0x6d: {  	v16 =	vmax.f32 v16, v20  }
0x6e: {  	v20 =	vperm.xlane v16, v8;
	_ =	sdelay $0x1  }
0x6f: {  	v16 =	vmax.f32 v16, v20  }
0x70: {  	v20 =	vperm.xlane v16, v3;
	_ =	sdelay $0x1  }
0x71: {  	v16 =	vmax.f32 v16, v20  }
0x72: {  	v17 =	vsel vm0, v18, v17;
	vm8 =	veq.f32 v19, v16  }
0x73: {  	v17 =	vnsel vm8, $0x40000000, v17  }
0x74: {  	v18 =	vperm.xlane v17, v6;
	_ =	sdelay $0x1  }
0x75: {  	vm0 =	vlt.s32 v17, v18  }
0x76: {  	v17 =	vsel vm0, v17, v18  }
0x77: {  	v18 =	vperm.xlane v17, v7;
	_ =	sdelay $0x1  }
0x78: {  	vm0 =	vlt.s32 v17, v18  }
0x79: {  	v17 =	vsel vm0, v17, v18  }
0x7a: {  	v18 =	vperm.xlane v17, v8;
	_ =	sdelay $0x1  }
0x7b: {  	vm0 =	vlt.s32 v17, v18  }
0x7c: {  	v17 =	vsel vm0, v17, v18  }
0x7d: {  	v18 =	vperm.xlane v17, v3;
	_ =	sdelay $0x1  }
0x7e: {  	vm0 =	vlt.s32 v17, v18  }
0x7f: {  	v17 =	vsel vm0, v17, v18  }
0x80: {  	(v2sf) =	vpush v17, $0x0;
	_ =	sdelay $0xe  }
0x81: {  	s0 =	spop (v2sf)  }
0x82: {  	s4 =	sshra.s32 s0, $0x1F  }
0x83: {  	s9 =	sshrl.u32 s4, $0x1C  }
0x84: {  	s9 =	sadd.s32 s9, s0  }
0x85: {  	s9 =	sand.u32 $0xFFFFFFF0, s9  }
0x86: {  	v17 =	vld [tilespmem:s9+$0x80]  }
0x87: {  	v18 =	vld [tilespmem:s9+$0x2080]  }
0x88: {  	s14 =	ssub.s32 s0, s9  }
0x89: {  	v19 =	vmov s14  }
0x8a: {  	vm9 =	veq.s32 v19, v5  }
0x8b: {  	v17 =	vnsel vm9, $0xFFFFFFFF, v17  }
0x8c: {  	v18 =	vnsel vm9, $0xFFFFFFFF, v18;
	v19 =	vperm.xlane v17, v6  }
0x8d: {  	v20 =	vperm.xlane v18, v6  }
0x8e: {  	vm10 =	vgt.s32 v17, v19  }
0x8f: {  	vm11 =	vgt.s32 v18, v20;
	v17 =	vsel vm10, v17, v19  }
0x90: {  	v18 =	vsel vm11, v18, v20;
	v19 =	vperm.xlane v17, v7  }
0x91: {  	v20 =	vperm.xlane v18, v7  }
0x92: {  	v21 =	vld [tilespmem:s9+$0x6080];
	vm12 =	vgt.s32 v17, v19  }
0x93: {  	s4 =	sshrl.u32 s4, $0x18;
	vm13 =	vgt.s32 v18, v20;
	v17 =	vsel vm12, v17, v19  }
0x94: {  	s0 =	sadd.s32 s4, s0;
	v18 =	vsel vm13, v18, v20;
	v19 =	vperm.xlane v17, v8  }
0x95: {  	s4 =	sand.u32 $0xFFFFFF00, s0;
	v22 =	vperm.xlane v18, v8  }
0x96: {  	s31 =	simm.s32 $0x0;
	s29 =	sadd.s32 $0x0, s4;
	vm14 =	vgt.s32 v17, v19  }
0x97: {  	s14 =	sand.u32 $0x70, s31;
	s30 =	sand.u32 $0xFFFFFF80, s29;
	vm15 =	vgt.s32 v18, v22;
	v17 =	vsel vm14, v17, v19;
	v19 =	vsel vm9, $0xFF800000, v21  }
0x98: {  	v23 =	vor.u32 s29, v5;
	s14 =	sor.u32 s14, s30;
	v21 =	vimm.s32 $0x40000000;
	v18 =	vsel vm15, v18, v22;
	[tilespmem:s9+$0x6080] =	vst v19  }
0x99: {  	v22 =	vimm.f32 $-Inf;
	v20 =	vperm.xlane v17, v3;
	v19 =	vperm.xlane v18, v3;
	s9 =	sshra.s32 s0, $0x8;
	s0 =	simm.s32 $0x10;
	v24 =	vld [tilespmem:s14+$0x6080]  }
.LBB2_12:
0x9a: {  	p0 =	sne.s32 s0, $0xF0  }
.Ltmp4:
0x9b: {  	_ = 	snop;
	(pc) =	sbr.rel @p0 .LBB2_12-.Ltmp4, $4  }
0x9c: {  	s14 =	sadd.s32 s0, s4;
	s29 =	smov.u32 s0  }
0x9d: {  	s30 =	sand.u32 $0xFFFFFF80, s14;
	s29 =	sand.u32 $0x70, s29  }
0x9e: {  	v25 =	vor.u32 s14, v5;
	s31 =	sor.u32 s29, s30;
	vm0 =	vgt.f32 v24, v22  }
0x9f: {  	s0 =	sadd.s32 $0x10, s0;
	v22 =	vsel vm0, v24, v22;
	v24 =	vld [tilespmem:s31+$0x6080];
	v21 =	vsel vm0, v23, v21;
	v23 =	vmov v25  }
0xa0: {  	_ = 	snop  }
0xa1: {  	s0 =	sadd.s32 $0xFFFFFFF0, s28;
	v62 =	vmov s28;
	s28 =	sadd.s32 $0x1, s28  }
0xa2: {  	vm1 =	vgt.s32 v17, v20;
	p0 =	sne.s32 s28, $0x20  }
.Ltmp5:
0xa3: {  	vm13 =	vgt.s32 v18, v19;
	v17 =	vsel vm1, v17, v20;
	v63 =	vmov s0;
	(pc) =	sbr.rel @p0 .LBB2_9-.Ltmp5, $4  }
0xa4: {  	v18 =	vsel vm13, v18, v19;
	vm14 =	veq.s32 v62, v5;
	vm0 =	vgt.f32 v24, v22  }
0xa5: {  	s31 =	sshll.u32 s9, $0x4;
	vm15 =	veq.s32 v63, v5;
	v15 =	vsel vm14, v16, v15;
	v22 =	vsel vm0, v24, v22  }
0xa6: {  	v13 =	vsel vm14, v17, v13;
	v11 =	vsel vm14, v18, v11;
	v21 =	vsel vm0, v23, v21;
	[tilespmem:s31+$0x8080] =	vst v22  }
0xa7: {  	v14 =	vsel vm15, v16, v14;
	v12 =	vsel vm15, v17, v12;
	v10 =	vsel vm15, v18, v10;
	[tilespmem:s31+$0x8280] =	vst v21  }
0xa8: {  	v16 =	vperm.xlane v15, v6;
	_ =	sdelay $0x1  }
0xa9: {  	v16 =	vmax.f32 v15, v16  }
0xaa: {  	v17 =	vperm.xlane v16, v7;
	_ =	sdelay $0x1  }
0xab: {  	v16 =	vmax.f32 v16, v17  }
0xac: {  	v17 =	vperm.xlane v16, v8;
	_ =	sdelay $0x1  }
0xad: {  	v16 =	vmax.f32 v16, v17  }
0xae: {  	v17 =	vperm.xlane v16, v3;
	_ =	sdelay $0x1  }
0xaf: {  	v16 =	vmax.f32 v16, v17  }
0xb0: {  	v59 =	vsub.f32 v15, v16  }
0xb1: {  	v14 =	vsub.f32 v14, v16  }
0xb2: {  	v15 =	vmul.f32 $1.442695020e+00, v59  }
0xb3: {  	v14 =	vmul.f32 $1.442695020e+00, v14  }
0xb4: {  	(erf) = vpow2.f32 v15  }
0xb5: {  	(erf) = vpow2.f32 v14;
	_ =	sdelay $0x7  }
0xb6: {  	v60 =	vpop (erf)  }
0xb7: {  	v61 =	vpop (erf)  }
0xb8: {  	v62 =	vadd.f32 v61, v60;
	_ =	sdelay $0x1  }
0xb9: {  	v63 =	vperm.xlane v62, v6;
	_ =	sdelay $0x1  }
0xba: {  	v16 =	vadd.f32 v62, v63;
	_ =	sdelay $0x1  }
0xbb: {  	v17 =	vperm.xlane v16, v7;
	_ =	sdelay $0x1  }
0xbc: {  	v16 =	vadd.f32 v16, v17;
	_ =	sdelay $0x1  }
0xbd: {  	v17 =	vperm.xlane v16, v8;
	_ =	sdelay $0x1  }
0xbe: {  	v16 =	vadd.f32 v16, v17;
	_ =	sdelay $0x1  }
0xbf: {  	v17 =	vperm.xlane v16, v3;
	_ =	sdelay $0x1  }
0xc0: {  	v16 =	vadd.f32 v16, v17;
	_ =	sdelay $0x1  }
0xc1: {  	(erf) = vrcp.f32 v16;
	_ =	sdelay $0x7  }
0xc2: {  	[tilespmem:$0x8480] =	vst v13  }
0xc3: {  	[tilespmem:$0x8490] =	vst v12;
	v16 =	vpop (erf)  }
0xc4: {  	[tilespmem:$0x8500] =	vst v11;
	v14 =	vmul.f32 v16, v60  }
0xc5: {  	s0 =	sadd.s32 s13, s26;
	[tilespmem:$0x8510] =	vst v10;
	v15 =	vmul.f32 v16, v61  }
0xc6: {  	s0 =	sshrl.u32 s0, $0x3;
	[tilespmem:$0x8580] =	vst v14  }
0xc7: {  	s4 =	sadd.s32 s7, s0;
	[tilespmem:$0x8590] =	vst v15  }
0xc8: {  	[hbm4b:s4+s6] =	stream.linear.scatter [tilespmem:s21], [sflag:$0x1], $0x80, $0x38;
	[tilespmem:$0x8600] =	vst v63  }
0xc9: {  	_ =	swait.ge [sflag:s15], $0x80  }
0xca: {  	[sflag:s15] =	ssyncset.done $0x0  }
0xcb: {  	s31 =	sadd.s32 s8, s0;
	[sflag:s15] =	ssyncadd.s32 $0xFFFFFF80  }
0xcc: {  	[hbm4b:s31+s6] =	stream.linear.scatter [tilespmem:s22], [sflag:$0x1], $0x80, $0x38;
	[tilespmem:$0x8600] =	vst v63  }
0xcd: {  	s25 =	sadd.s32 $0x1, s25;
	_ =	swait.ge [sflag:s15], $0x80  }
0xce: {  	p0 =	sne.s32 s25, $0x4;
	[sflag:s15] =	ssyncset.done $0x0  }
.Ltmp6:
0xcf: {  	s0 =	sadd.s32 s10, s0;
	[sflag:s15] =	ssyncadd.s32 $0xFFFFFF80;
	(pc) =	sbr.rel @p0 .LBB2_2-.Ltmp6, $4  }
0xd0: {  	[hbm4b:s0+s6] =	stream.linear.scatter [tilespmem:s23], [sflag:$0x1], $0x80, $0x38;
	[tilespmem:$0x8600] =	vst v63  }
0xd1: {  	_ =	swait.ge [sflag:s15], $0x80  }
0xd2: {  	[sflag:s15] =	ssyncset.done $0x0  }
0xd3: {  	[sflag:s15] =	ssyncadd.s32 $0xFFFFFF80  }
0xd4: {  	s24 =	sadd.s32 $0x1, s24;
	s0 =	rddreg [dreg:$0x7]  }
0xd5: {  	p0 =	sne.s32 s24, s0  }
.Ltmp7:
0xd6: {  	_ = 	snop;
	(pc) =	sbr.rel @p0 .LBB2_1-.Ltmp7, $1  }
0xd7: {  	_ =	sdelay $0x3  }
0xd8: {  	_ =	sfence.sel $0x180000  }
0xd9: {  	[bflag:$0x0] =	sbarrier.arrive $0xFFFF  }
0xda: {  	_ =	strace $0x90000047  }
0xdb: {  	s0 =	stileid.u32;
	[bflag:$0x2] =	sbarrier.arrive $0xFFFF  }
0xdc: {  	p0 =	sne.s32 s0, $0x0;
	s0 =	rddreg [dreg:$0x6]  }
0xdd: {  	s0 =	sadd.s32 @!p0 $0x100000, s0  }
0xde: {  	[sflag:s0] =	ssyncadd.tile.s32 @!p0 $0x1;
	_ =	shalt  }
.Lfunc_end2:
_tile_overlayer_lowered:
.L_overlay_start_2:
0xdf: {  	(tag) =	ssettag $0x2  }
0xe0: {  	s0 =	rddreg [dreg:$0x0];
	s2 =	stileid.u32  }
0xe1: {  	s1 =	rddreg [dreg:$0x1];
	p0 =	sne.s32 s2, $0x0  }
0xe2: {  	s3 =	rddreg [dreg:$0x2];
	[bflag:$0x3] =	sbarrier.arrive $0xFFFF;
	s2 =	simm.s32 @!p0 $0x1C01  }
0xe3: {  	[timem:s3], [sflag:s2] =	dma.local @!p0 [hbm:s0], s1  }
0xe4: {  	s0 =	simm.s32 @!p0 $0x1  }
0xe5: {  	_ =	swait.ge @!p0 [sflag:s0], s1  }
0xe6: {  	s1 =	ssub.s32 @!p0 $0x0, s1;
	[sflag:s0] =	ssyncset.done @!p0 $0x0  }
0xe7: {  	[sflag:s0] =	ssyncadd.s32 @!p0 s1  }
0xe8: {  	[bflag:$0x3] =	sbarrier.arrive $0xFFFF  }
0xe9: {  	_ =	shalt  }

</sc_bundles>
